<compile_context>
chip_gen: v7x
topology: tpu7x:2x2x1
jax: 0.10.2.dev20260603
libtpu: 0.0.44.dev20260713+nightly
codegen_flags: <defaults>
</compile_context>

<pallas_src>
import functools

import jax
import jax.numpy as jnp
from jax import lax
from jax.experimental import pallas as pl
from jax.experimental.pallas import tpu as pltpu
from jax.experimental.pallas import tpu_sc as plsc

NUM_TIME_STEPS = 1000
BATCH = 16384
NUM_CORES = 1
NUM_SUBCORES = 16
LANES = 16
NUM_WORKERS = NUM_CORES * NUM_SUBCORES
B_PER_W = BATCH // NUM_WORKERS


@functools.lru_cache(maxsize=1)
def _build_ddpm_gather():
    mesh = plsc.VectorSubcoreMesh(
        core_axis_name="c", subcore_axis_name="s", num_cores=NUM_CORES)

    @functools.partial(
        pl.kernel,
        mesh=mesh,
        compiler_params=pltpu.CompilerParams(needs_layout_passes=False),
        out_type=(
            jax.ShapeDtypeStruct((BATCH,), jnp.float32),
            jax.ShapeDtypeStruct((BATCH,), jnp.float32),
        ),
        scratch_types=[
            pltpu.VMEM((B_PER_W,), jnp.int32),
            pltpu.VMEM((NUM_TIME_STEPS,), jnp.float32),
            pltpu.VMEM((NUM_TIME_STEPS,), jnp.float32),
            pltpu.VMEM((B_PER_W,), jnp.float32),
            pltpu.VMEM((B_PER_W,), jnp.float32),
            pltpu.SemaphoreType.DMA,
        ],
    )
    def _ddpm_gather(t_hbm, beta_hbm, alpha_hbm, beta_out, alpha_out,
                     idx_v, beta_v, alpha_v, bout_v, aout_v, sem):
        wid = lax.axis_index("s") * NUM_CORES + lax.axis_index("c")
        base = wid * B_PER_W

        in0 = pltpu.async_copy(t_hbm.at[pl.ds(base, B_PER_W)], idx_v, sem)
        in1 = pltpu.async_copy(beta_hbm, beta_v, sem)
        in2 = pltpu.async_copy(alpha_hbm, alpha_v, sem)
        in0.wait()
        in1.wait()
        in2.wait()

        for i in range(B_PER_W // LANES):
            idx = idx_v[pl.ds(i * LANES, LANES)]
            bout_v[pl.ds(i * LANES, LANES)] = plsc.load_gather(beta_v, [idx])
            aout_v[pl.ds(i * LANES, LANES)] = plsc.load_gather(alpha_v, [idx])

        out0 = pltpu.async_copy(bout_v, beta_out.at[pl.ds(base, B_PER_W)], sem)
        out1 = pltpu.async_copy(aout_v, alpha_out.at[pl.ds(base, B_PER_W)], sem)
        out0.wait()
        out1.wait()

    return _ddpm_gather


def kernel(t, beta, alpha):
    return _build_ddpm_gather()(t, beta, alpha)

# --- scband reference (transcript-rebuilt; emitter-appended) ---
"""Pipeline reference for scband-ddpm-scheduler-88785563943722 (READ-ONLY COPY).

The authoritative reference and input builder live on the scoring server;
editing this copy changes nothing except your own understanding.
"""

import jax, jax.numpy as jnp
import numpy as np

NUM_TIME_STEPS = 1000
BATCH = 16384

def setup_inputs(seed: int = 0) -> dict:
    key = jax.random.key(seed)
    t = jax.random.randint(key, (BATCH,), 0, NUM_TIME_STEPS, dtype=jnp.int64 if jax.config.jax_enable_x64 else jnp.int32)
    beta = jnp.linspace(0.0001, 0.02, NUM_TIME_STEPS, dtype=jnp.float32)
    alpha = jnp.cumprod(1.0 - beta, axis=0)
    return {"t": t, "beta": beta, "alpha": alpha}

def reference(t, beta, alpha):
    # DDPM_Scheduler.forward: gather beta[t] and alpha[t]
    beta_t = jnp.take(beta, t, axis=0)
    alpha_t = jnp.take(alpha, t, axis=0)
    return (beta_t, alpha_t)

if __name__ == "__main__":
    import jax
    _d = setup_inputs()
    print(jax.jit(kernel)(*tuple(_d.values())))

</pallas_src>

<mosaic_0001>
#map = affine_map<(d0, d1) -> (0)>
module attributes {stable_mosaic.version = 14 : i64} {
  func.func @_ddpm_gather(%arg0: i32, %arg1: i32, %arg2: memref<16384xi32, #tpu.memory_space<hbm>>, %arg3: memref<1000xf32, #tpu.memory_space<hbm>>, %arg4: memref<1000xf32, #tpu.memory_space<hbm>>, %arg5: memref<16384xf32, #tpu.memory_space<hbm>>, %arg6: memref<16384xf32, #tpu.memory_space<hbm>>, %arg7: memref<1024xi32, #tpu.memory_space<vmem>>, %arg8: memref<1000xf32, #tpu.memory_space<vmem>>, %arg9: memref<1000xf32, #tpu.memory_space<vmem>>, %arg10: memref<1024xf32, #tpu.memory_space<vmem>>, %arg11: memref<1024xf32, #tpu.memory_space<vmem>>, %arg12: memref<!tpu.dma_semaphore, #tpu.memory_space<semaphore_mem>>) attributes {dimension_semantics = [#tpu.dimension_semantics<core_parallel>, #tpu.dimension_semantics<subcore_parallel>], iteration_bounds = array<i64: 1, 16>, scalar_prefetch = 0 : i64, scratch_operands = 6 : i64, tpu.core_type = #tpu.core_type<sc_vector_subcore>, window_params = [{transform_indices = #map}, {transform_indices = #map}, {transform_indices = #map}, {transform_indices = #map}, {transform_indices = #map}]} {
    %mul3A = arith.constant 1 : i32
    %mul3A_0 = arith.muli %arg1, %mul3A : i32
    %add3A = arith.addi %mul3A_0, %arg0 : i32
    %mul3A_1 = arith.constant 1024 : i32
    %mul3A_2 = arith.muli %add3A, %mul3A_1 : i32
    %dma_start3A = tpu.memref_slice %arg2[%mul3A_2] : memref<16384xi32, #tpu.memory_space<hbm>> -> memref<1024xi32, #tpu.memory_space<hbm>>
    %dma_start3A_3 = tpu.memref_slice %arg2[%mul3A_2] : memref<16384xi32, #tpu.memory_space<hbm>> -> memref<1024xi32, #tpu.memory_space<hbm>>
    tpu.enqueue_dma source(%dma_start3A_3 : memref<1024xi32, #tpu.memory_space<hbm>>) target(%arg7 : memref<1024xi32, #tpu.memory_space<vmem>>) target_semaphore(%arg12 : memref<!tpu.dma_semaphore, #tpu.memory_space<semaphore_mem>>)
    tpu.enqueue_dma source(%arg3 : memref<1000xf32, #tpu.memory_space<hbm>>) target(%arg8 : memref<1000xf32, #tpu.memory_space<vmem>>) target_semaphore(%arg12 : memref<!tpu.dma_semaphore, #tpu.memory_space<semaphore_mem>>)
    tpu.enqueue_dma source(%arg4 : memref<1000xf32, #tpu.memory_space<hbm>>) target(%arg9 : memref<1000xf32, #tpu.memory_space<vmem>>) target_semaphore(%arg12 : memref<!tpu.dma_semaphore, #tpu.memory_space<semaphore_mem>>)
    %dma_wait3A = tpu.memref_slice %arg2[%mul3A_2] : memref<16384xi32, #tpu.memory_space<hbm>> -> memref<1024xi32, #tpu.memory_space<hbm>>
    %dma_wait3A_4 = tpu.memref_slice %arg2[%mul3A_2] : memref<16384xi32, #tpu.memory_space<hbm>> -> memref<1024xi32, #tpu.memory_space<hbm>>
    tpu.wait_dma2 semaphore(%arg12 : memref<!tpu.dma_semaphore, #tpu.memory_space<semaphore_mem>>) src(%dma_wait3A_4 : memref<1024xi32, #tpu.memory_space<hbm>>) dst(%arg7 : memref<1024xi32, #tpu.memory_space<vmem>>)
    tpu.wait_dma2 semaphore(%arg12 : memref<!tpu.dma_semaphore, #tpu.memory_space<semaphore_mem>>) src(%arg3 : memref<1000xf32, #tpu.memory_space<hbm>>) dst(%arg8 : memref<1000xf32, #tpu.memory_space<vmem>>)
    tpu.wait_dma2 semaphore(%arg12 : memref<!tpu.dma_semaphore, #tpu.memory_space<semaphore_mem>>) src(%arg4 : memref<1000xf32, #tpu.memory_space<hbm>>) dst(%arg9 : memref<1000xf32, #tpu.memory_space<vmem>>)
    %get3A = arith.constant 0 : index
    %get3A_5 = tpu.vector_load %arg7[%get3A] {strides = array<i32>} : memref<1024xi32, #tpu.memory_space<vmem>>, vector<16xi32>,
    %gather3A = tpu.vector_load_idx %arg8[%get3A_5] : memref<1000xf32, #tpu.memory_space<vmem>>[vector<16xi32>], vector<16xf32>,
    %swap3A = arith.constant 0 : index
    %swap3A_6 = tpu.vector_load %arg10[%swap3A] {strides = array<i32>} : memref<1024xf32, #tpu.memory_space<vmem>>, vector<16xf32>,
    tpu.vector_store %arg10[%swap3A], %gather3A {strides = array<i32>} : memref<1024xf32, #tpu.memory_space<vmem>>, vector<16xf32>,
    %gather3A_7 = tpu.vector_load_idx %arg9[%get3A_5] : memref<1000xf32, #tpu.memory_space<vmem>>[vector<16xi32>], vector<16xf32>,
    %swap3A_8 = arith.constant 0 : index
    %swap3A_9 = tpu.vector_load %arg11[%swap3A_8] {strides = array<i32>} : memref<1024xf32, #tpu.memory_space<vmem>>, vector<16xf32>,
    tpu.vector_store %arg11[%swap3A_8], %gather3A_7 {strides = array<i32>} : memref<1024xf32, #tpu.memory_space<vmem>>, vector<16xf32>,
    %get3A_10 = arith.constant 16 : index
    %get3A_11 = tpu.vector_load %arg7[%get3A_10] {strides = array<i32>} : memref<1024xi32, #tpu.memory_space<vmem>>, vector<16xi32>,
    %gather3A_12 = tpu.vector_load_idx %arg8[%get3A_11] : memref<1000xf32, #tpu.memory_space<vmem>>[vector<16xi32>], vector<16xf32>,
    %swap3A_13 = arith.constant 16 : index
    %swap3A_14 = tpu.vector_load %arg10[%swap3A_13] {strides = array<i32>} : memref<1024xf32, #tpu.memory_space<vmem>>, vector<16xf32>,
    tpu.vector_store %arg10[%swap3A_13], %gather3A_12 {strides = array<i32>} : memref<1024xf32, #tpu.memory_space<vmem>>, vector<16xf32>,
    %gather3A_15 = tpu.vector_load_idx %arg9[%get3A_11] : memref<1000xf32, #tpu.memory_space<vmem>>[vector<16xi32>], vector<16xf32>,
    %swap3A_16 = arith.constant 16 : index
    %swap3A_17 = tpu.vector_load %arg11[%swap3A_16] {strides = array<i32>} : memref<1024xf32, #tpu.memory_space<vmem>>, vector<16xf32>,
    tpu.vector_store %arg11[%swap3A_16], %gather3A_15 {strides = array<i32>} : memref<1024xf32, #tpu.memory_space<vmem>>, vector<16xf32>,
    %get3A_18 = arith.constant 32 : index
    %get3A_19 = tpu.vector_load %arg7[%get3A_18] {strides = array<i32>} : memref<1024xi32, #tpu.memory_space<vmem>>, vector<16xi32>,
    %gather3A_20 = tpu.vector_load_idx %arg8[%get3A_19] : memref<1000xf32, #tpu.memory_space<vmem>>[vector<16xi32>], vector<16xf32>,
    %swap3A_21 = arith.constant 32 : index
    %swap3A_22 = tpu.vector_load %arg10[%swap3A_21] {strides = array<i32>} : memref<1024xf32, #tpu.memory_space<vmem>>, vector<16xf32>,
    tpu.vector_store %arg10[%swap3A_21], %gather3A_20 {strides = array<i32>} : memref<1024xf32, #tpu.memory_space<vmem>>, vector<16xf32>,
    %gather3A_23 = tpu.vector_load_idx %arg9[%get3A_19] : memref<1000xf32, #tpu.memory_space<vmem>>[vector<16xi32>], vector<16xf32>,
    %swap3A_24 = arith.constant 32 : index
    %swap3A_25 = tpu.vector_load %arg11[%swap3A_24] {strides = array<i32>} : memref<1024xf32, #tpu.memory_space<vmem>>, vector<16xf32>,
    tpu.vector_store %arg11[%swap3A_24], %gather3A_23 {strides = array<i32>} : memref<1024xf32, #tpu.memory_space<vmem>>, vector<16xf32>,
    %get3A_26 = arith.constant 48 : index
    %get3A_27 = tpu.vector_load %arg7[%get3A_26] {strides = array<i32>} : memref<1024xi32, #tpu.memory_space<vmem>>, vector<16xi32>,
    %gather3A_28 = tpu.vector_load_idx %arg8[%get3A_27] : memref<1000xf32, #tpu.memory_space<vmem>>[vector<16xi32>], vector<16xf32>,
    %swap3A_29 = arith.constant 48 : index
    %swap3A_30 = tpu.vector_load %arg10[%swap3A_29] {strides = array<i32>} : memref<1024xf32, #tpu.memory_space<vmem>>, vector<16xf32>,
    tpu.vector_store %arg10[%swap3A_29], %gather3A_28 {strides = array<i32>} : memref<1024xf32, #tpu.memory_space<vmem>>, vector<16xf32>,
    %gather3A_31 = tpu.vector_load_idx %arg9[%get3A_27] : memref<1000xf32, #tpu.memory_space<vmem>>[vector<16xi32>], vector<16xf32>,
    %swap3A_32 = arith.constant 48 : index
    %swap3A_33 = tpu.vector_load %arg11[%swap3A_32] {strides = array<i32>} : memref<1024xf32, #tpu.memory_space<vmem>>, vector<16xf32>,
    tpu.vector_store %arg11[%swap3A_32], %gather3A_31 {strides = array<i32>} : memref<1024xf32, #tpu.memory_space<vmem>>, vector<16xf32>,
    %get3A_34 = arith.constant 64 : index
    %get3A_35 = tpu.vector_load %arg7[%get3A_34] {strides = array<i32>} : memref<1024xi32, #tpu.memory_space<vmem>>, vector<16xi32>,
    %gather3A_36 = tpu.vector_load_idx %arg8[%get3A_35] : memref<1000xf32, #tpu.memory_space<vmem>>[vector<16xi32>], vector<16xf32>,
    %swap3A_37 = arith.constant 64 : index
    %swap3A_38 = tpu.vector_load %arg10[%swap3A_37] {strides = array<i32>} : memref<1024xf32, #tpu.memory_space<vmem>>, vector<16xf32>,
    tpu.vector_store %arg10[%swap3A_37], %gather3A_36 {strides = array<i32>} : memref<1024xf32, #tpu.memory_space<vmem>>, vector<16xf32>,
    %gather3A_39 = tpu.vector_load_idx %arg9[%get3A_35] : memref<1000xf32, #tpu.memory_space<vmem>>[vector<16xi32>], vector<16xf32>,
    %swap3A_40 = arith.constant 64 : index
    %swap3A_41 = tpu.vector_load %arg11[%swap3A_40] {strides = array<i32>} : memref<1024xf32, #tpu.memory_space<vmem>>, vector<16xf32>,
    tpu.vector_store %arg11[%swap3A_40], %gather3A_39 {strides = array<i32>} : memref<1024xf32, #tpu.memory_space<vmem>>, vector<16xf32>,
    %get3A_42 = arith.constant 80 : index
    %get3A_43 = tpu.vector_load %arg7[%get3A_42] {strides = array<i32>} : memref<1024xi32, #tpu.memory_space<vmem>>, vector<16xi32>,
    %gather3A_44 = tpu.vector_load_idx %arg8[%get3A_43] : memref<1000xf32, #tpu.memory_space<vmem>>[vector<16xi32>], vector<16xf32>,
    %swap3A_45 = arith.constant 80 : index
    %swap3A_46 = tpu.vector_load %arg10[%swap3A_45] {strides = array<i32>} : memref<1024xf32, #tpu.memory_space<vmem>>, vector<16xf32>,
    tpu.vector_store %arg10[%swap3A_45], %gather3A_44 {strides = array<i32>} : memref<1024xf32, #tpu.memory_space<vmem>>, vector<16xf32>,
    %gather3A_47 = tpu.vector_load_idx %arg9[%get3A_43] : memref<1000xf32, #tpu.memory_space<vmem>>[vector<16xi32>], vector<16xf32>,
    %swap3A_48 = arith.constant 80 : index
    %swap3A_49 = tpu.vector_load %arg11[%swap3A_48] {strides = array<i32>} : memref<1024xf32, #tpu.memory_space<vmem>>, vector<16xf32>,
    tpu.vector_store %arg11[%swap3A_48], %gather3A_47 {strides = array<i32>} : memref<1024xf32, #tpu.memory_space<vmem>>, vector<16xf32>,
    %get3A_50 = arith.constant 96 : index
    %get3A_51 = tpu.vector_load %arg7[%get3A_50] {strides = array<i32>} : memref<1024xi32, #tpu.memory_space<vmem>>, vector<16xi32>,
    %gather3A_52 = tpu.vector_load_idx %arg8[%get3A_51] : memref<1000xf32, #tpu.memory_space<vmem>>[vector<16xi32>], vector<16xf32>,
    %swap3A_53 = arith.constant 96 : index
    %swap3A_54 = tpu.vector_load %arg10[%swap3A_53] {strides = array<i32>} : memref<1024xf32, #tpu.memory_space<vmem>>, vector<16xf32>,
    tpu.vector_store %arg10[%swap3A_53], %gather3A_52 {strides = array<i32>} : memref<1024xf32, #tpu.memory_space<vmem>>, vector<16xf32>,
    %gather3A_55 = tpu.vector_load_idx %arg9[%get3A_51] : memref<1000xf32, #tpu.memory_space<vmem>>[vector<16xi32>], vector<16xf32>,
    %swap3A_56 = arith.constant 96 : index
    %swap3A_57 = tpu.vector_load %arg11[%swap3A_56] {strides = array<i32>} : memref<1024xf32, #tpu.memory_space<vmem>>, vector<16xf32>,
    tpu.vector_store %arg11[%swap3A_56], %gather3A_55 {strides = array<i32>} : memref<1024xf32, #tpu.memory_space<vmem>>, vector<16xf32>,
    %get3A_58 = arith.constant 112 : index
    %get3A_59 = tpu.vector_load %arg7[%get3A_58] {strides = array<i32>} : memref<1024xi32, #tpu.memory_space<vmem>>, vector<16xi32>,
    %gather3A_60 = tpu.vector_load_idx %arg8[%get3A_59] : memref<1000xf32, #tpu.memory_space<vmem>>[vector<16xi32>], vector<16xf32>,
    %swap3A_61 = arith.constant 112 : index
    %swap3A_62 = tpu.vector_load %arg10[%swap3A_61] {strides = array<i32>} : memref<1024xf32, #tpu.memory_space<vmem>>, vector<16xf32>,
    tpu.vector_store %arg10[%swap3A_61], %gather3A_60 {strides = array<i32>} : memref<1024xf32, #tpu.memory_space<vmem>>, vector<16xf32>,
    %gather3A_63 = tpu.vector_load_idx %arg9[%get3A_59] : memref<1000xf32, #tpu.memory_space<vmem>>[vector<16xi32>], vector<16xf32>,
    %swap3A_64 = arith.constant 112 : index
    %swap3A_65 = tpu.vector_load %arg11[%swap3A_64] {strides = array<i32>} : memref<1024xf32, #tpu.memory_space<vmem>>, vector<16xf32>,
    tpu.vector_store %arg11[%swap3A_64], %gather3A_63 {strides = array<i32>} : memref<1024xf32, #tpu.memory_space<vmem>>, vector<16xf32>,
    %get3A_66 = arith.constant 128 : index
    %get3A_67 = tpu.vector_load %arg7[%get3A_66] {strides = array<i32>} : memref<1024xi32, #tpu.memory_space<vmem>>, vector<16xi32>,
    %gather3A_68 = tpu.vector_load_idx %arg8[%get3A_67] : memref<1000xf32, #tpu.memory_space<vmem>>[vector<16xi32>], vector<16xf32>,
    %swap3A_69 = arith.constant 128 : index
    %swap3A_70 = tpu.vector_load %arg10[%swap3A_69] {strides = array<i32>} : memref<1024xf32, #tpu.memory_space<vmem>>, vector<16xf32>,
    tpu.vector_store %arg10[%swap3A_69], %gather3A_68 {strides = array<i32>} : memref<1024xf32, #tpu.memory_space<vmem>>, vector<16xf32>,
    %gather3A_71 = tpu.vector_load_idx %arg9[%get3A_67] : memref<1000xf32, #tpu.memory_space<vmem>>[vector<16xi32>], vector<16xf32>,
    %swap3A_72 = arith.constant 128 : index
    %swap3A_73 = tpu.vector_load %arg11[%swap3A_72] {strides = array<i32>} : memref<1024xf32, #tpu.memory_space<vmem>>, vector<16xf32>,
    tpu.vector_store %arg11[%swap3A_72], %gather3A_71 {strides = array<i32>} : memref<1024xf32, #tpu.memory_space<vmem>>, vector<16xf32>,
    %get3A_74 = arith.constant 144 : index
    %get3A_75 = tpu.vector_load %arg7[%get3A_74] {strides = array<i32>} : memref<1024xi32, #tpu.memory_space<vmem>>, vector<16xi32>,
    %gather3A_76 = tpu.vector_load_idx %arg8[%get3A_75] : memref<1000xf32, #tpu.memory_space<vmem>>[vector<16xi32>], vector<16xf32>,
    %swap3A_77 = arith.constant 144 : index
    %swap3A_78 = tpu.vector_load %arg10[%swap3A_77] {strides = array<i32>} : memref<1024xf32, #tpu.memory_space<vmem>>, vector<16xf32>,
    tpu.vector_store %arg10[%swap3A_77], %gather3A_76 {strides = array<i32>} : memref<1024xf32, #tpu.memory_space<vmem>>, vector<16xf32>,
    %gather3A_79 = tpu.vector_load_idx %arg9[%get3A_75] : memref<1000xf32, #tpu.memory_space<vmem>>[vector<16xi32>], vector<16xf32>,
    %swap3A_80 = arith.constant 144 : index
    %swap3A_81 = tpu.vector_load %arg11[%swap3A_80] {strides = array<i32>} : memref<1024xf32, #tpu.memory_space<vmem>>, vector<16xf32>,
    tpu.vector_store %arg11[%swap3A_80], %gather3A_79 {strides = array<i32>} : memref<1024xf32, #tpu.memory_space<vmem>>, vector<16xf32>,
    %get3A_82 = arith.constant 160 : index
    %get3A_83 = tpu.vector_load %arg7[%get3A_82] {strides = array<i32>} : memref<1024xi32, #tpu.memory_space<vmem>>, vector<16xi32>,
    %gather3A_84 = tpu.vector_load_idx %arg8[%get3A_83] : memref<1000xf32, #tpu.memory_space<vmem>>[vector<16xi32>], vector<16xf32>,
    %swap3A_85 = arith.constant 160 : index
    %swap3A_86 = tpu.vector_load %arg10[%swap3A_85] {strides = array<i32>} : memref<1024xf32, #tpu.memory_space<vmem>>, vector<16xf32>,
    tpu.vector_store %arg10[%swap3A_85], %gather3A_84 {strides = array<i32>} : memref<1024xf32, #tpu.memory_space<vmem>>, vector<16xf32>,
    %gather3A_87 = tpu.vector_load_idx %arg9[%get3A_83] : memref<1000xf32, #tpu.memory_space<vmem>>[vector<16xi32>], vector<16xf32>,
    %swap3A_88 = arith.constant 160 : index
    %swap3A_89 = tpu.vector_load %arg11[%swap3A_88] {strides = array<i32>} : memref<1024xf32, #tpu.memory_space<vmem>>, vector<16xf32>,
    tpu.vector_store %arg11[%swap3A_88], %gather3A_87 {strides = array<i32>} : memref<1024xf32, #tpu.memory_space<vmem>>, vector<16xf32>,
    %get3A_90 = arith.constant 176 : index
    %get3A_91 = tpu.vector_load %arg7[%get3A_90] {strides = array<i32>} : memref<1024xi32, #tpu.memory_space<vmem>>, vector<16xi32>,
    %gather3A_92 = tpu.vector_load_idx %arg8[%get3A_91] : memref<1000xf32, #tpu.memory_space<vmem>>[vector<16xi32>], vector<16xf32>,
    %swap3A_93 = arith.constant 176 : index
    %swap3A_94 = tpu.vector_load %arg10[%swap3A_93] {strides = array<i32>} : memref<1024xf32, #tpu.memory_space<vmem>>, vector<16xf32>,
    tpu.vector_store %arg10[%swap3A_93], %gather3A_92 {strides = array<i32>} : memref<1024xf32, #tpu.memory_space<vmem>>, vector<16xf32>,
    %gather3A_95 = tpu.vector_load_idx %arg9[%get3A_91] : memref<1000xf32, #tpu.memory_space<vmem>>[vector<16xi32>], vector<16xf32>,
    %swap3A_96 = arith.constant 176 : index
    %swap3A_97 = tpu.vector_load %arg11[%swap3A_96] {strides = array<i32>} : memref<1024xf32, #tpu.memory_space<vmem>>, vector<16xf32>,
    tpu.vector_store %arg11[%swap3A_96], %gather3A_95 {strides = array<i32>} : memref<1024xf32, #tpu.memory_space<vmem>>, vector<16xf32>,
    %get3A_98 = arith.constant 192 : index
    %get3A_99 = tpu.vector_load %arg7[%get3A_98] {strides = array<i32>} : memref<1024xi32, #tpu.memory_space<vmem>>, vector<16xi32>,
    %gather3A_100 = tpu.vector_load_idx %arg8[%get3A_99] : memref<1000xf32, #tpu.memory_space<vmem>>[vector<16xi32>], vector<16xf32>,
    %swap3A_101 = arith.constant 192 : index
    %swap3A_102 = tpu.vector_load %arg10[%swap3A_101] {strides = array<i32>} : memref<1024xf32, #tpu.memory_space<vmem>>, vector<16xf32>,
    tpu.vector_store %arg10[%swap3A_101], %gather3A_100 {strides = array<i32>} : memref<1024xf32, #tpu.memory_space<vmem>>, vector<16xf32>,
    %gather3A_103 = tpu.vector_load_idx %arg9[%get3A_99] : memref<1000xf32, #tpu.memory_space<vmem>>[vector<16xi32>], vector<16xf32>,
    %swap3A_104 = arith.constant 192 : index
    %swap3A_105 = tpu.vector_load %arg11[%swap3A_104] {strides = array<i32>} : memref<1024xf32, #tpu.memory_space<vmem>>, vector<16xf32>,
    tpu.vector_store %arg11[%swap3A_104], %gather3A_103 {strides = array<i32>} : memref<1024xf32, #tpu.memory_space<vmem>>, vector<16xf32>,
    %get3A_106 = arith.constant 208 : index
    %get3A_107 = tpu.vector_load %arg7[%get3A_106] {strides = array<i32>} : memref<1024xi32, #tpu.memory_space<vmem>>, vector<16xi32>,
    %gather3A_108 = tpu.vector_load_idx %arg8[%get3A_107] : memref<1000xf32, #tpu.memory_space<vmem>>[vector<16xi32>], vector<16xf32>,
    %swap3A_109 = arith.constant 208 : index
    %swap3A_110 = tpu.vector_load %arg10[%swap3A_109] {strides = array<i32>} : memref<1024xf32, #tpu.memory_space<vmem>>, vector<16xf32>,
    tpu.vector_store %arg10[%swap3A_109], %gather3A_108 {strides = array<i32>} : memref<1024xf32, #tpu.memory_space<vmem>>, vector<16xf32>,
    %gather3A_111 = tpu.vector_load_idx %arg9[%get3A_107] : memref<1000xf32, #tpu.memory_space<vmem>>[vector<16xi32>], vector<16xf32>,
    %swap3A_112 = arith.constant 208 : index
    %swap3A_113 = tpu.vector_load %arg11[%swap3A_112] {strides = array<i32>} : memref<1024xf32, #tpu.memory_space<vmem>>, vector<16xf32>,
    tpu.vector_store %arg11[%swap3A_112], %gather3A_111 {strides = array<i32>} : memref<1024xf32, #tpu.memory_space<vmem>>, vector<16xf32>,
    %get3A_114 = arith.constant 224 : index
    %get3A_115 = tpu.vector_load %arg7[%get3A_114] {strides = array<i32>} : memref<1024xi32, #tpu.memory_space<vmem>>, vector<16xi32>,
    %gather3A_116 = tpu.vector_load_idx %arg8[%get3A_115] : memref<1000xf32, #tpu.memory_space<vmem>>[vector<16xi32>], vector<16xf32>,
    %swap3A_117 = arith.constant 224 : index
    %swap3A_118 = tpu.vector_load %arg10[%swap3A_117] {strides = array<i32>} : memref<1024xf32, #tpu.memory_space<vmem>>, vector<16xf32>,
    tpu.vector_store %arg10[%swap3A_117], %gather3A_116 {strides = array<i32>} : memref<1024xf32, #tpu.memory_space<vmem>>, vector<16xf32>,
    %gather3A_119 = tpu.vector_load_idx %arg9[%get3A_115] : memref<1000xf32, #tpu.memory_space<vmem>>[vector<16xi32>], vector<16xf32>,
    %swap3A_120 = arith.constant 224 : index
    %swap3A_121 = tpu.vector_load %arg11[%swap3A_120] {strides = array<i32>} : memref<1024xf32, #tpu.memory_space<vmem>>, vector<16xf32>,
    tpu.vector_store %arg11[%swap3A_120], %gather3A_119 {strides = array<i32>} : memref<1024xf32, #tpu.memory_space<vmem>>, vector<16xf32>,
    %get3A_122 = arith.constant 240 : index
    %get3A_123 = tpu.vector_load %arg7[%get3A_122] {strides = array<i32>} : memref<1024xi32, #tpu.memory_space<vmem>>, vector<16xi32>,
    %gather3A_124 = tpu.vector_load_idx %arg8[%get3A_123] : memref<1000xf32, #tpu.memory_space<vmem>>[vector<16xi32>], vector<16xf32>,
    %swap3A_125 = arith.constant 240 : index
    %swap3A_126 = tpu.vector_load %arg10[%swap3A_125] {strides = array<i32>} : memref<1024xf32, #tpu.memory_space<vmem>>, vector<16xf32>,
    tpu.vector_store %arg10[%swap3A_125], %gather3A_124 {strides = array<i32>} : memref<1024xf32, #tpu.memory_space<vmem>>, vector<16xf32>,
    %gather3A_127 = tpu.vector_load_idx %arg9[%get3A_123] : memref<1000xf32, #tpu.memory_space<vmem>>[vector<16xi32>], vector<16xf32>,
    %swap3A_128 = arith.constant 240 : index
    %swap3A_129 = tpu.vector_load %arg11[%swap3A_128] {strides = array<i32>} : memref<1024xf32, #tpu.memory_space<vmem>>, vector<16xf32>,
    tpu.vector_store %arg11[%swap3A_128], %gather3A_127 {strides = array<i32>} : memref<1024xf32, #tpu.memory_space<vmem>>, vector<16xf32>,
    %get3A_130 = arith.constant 256 : index
    %get3A_131 = tpu.vector_load %arg7[%get3A_130] {strides = array<i32>} : memref<1024xi32, #tpu.memory_space<vmem>>, vector<16xi32>,
    %gather3A_132 = tpu.vector_load_idx %arg8[%get3A_131] : memref<1000xf32, #tpu.memory_space<vmem>>[vector<16xi32>], vector<16xf32>,
    %swap3A_133 = arith.constant 256 : index
    %swap3A_134 = tpu.vector_load %arg10[%swap3A_133] {strides = array<i32>} : memref<1024xf32, #tpu.memory_space<vmem>>, vector<16xf32>,
    tpu.vector_store %arg10[%swap3A_133], %gather3A_132 {strides = array<i32>} : memref<1024xf32, #tpu.memory_space<vmem>>, vector<16xf32>,
    %gather3A_135 = tpu.vector_load_idx %arg9[%get3A_131] : memref<1000xf32, #tpu.memory_space<vmem>>[vector<16xi32>], vector<16xf32>,
    %swap3A_136 = arith.constant 256 : index
    %swap3A_137 = tpu.vector_load %arg11[%swap3A_136] {strides = array<i32>} : memref<1024xf32, #tpu.memory_space<vmem>>, vector<16xf32>,
    tpu.vector_store %arg11[%swap3A_136], %gather3A_135 {strides = array<i32>} : memref<1024xf32, #tpu.memory_space<vmem>>, vector<16xf32>,
    %get3A_138 = arith.constant 272 : index
    %get3A_139 = tpu.vector_load %arg7[%get3A_138] {strides = array<i32>} : memref<1024xi32, #tpu.memory_space<vmem>>, vector<16xi32>,
    %gather3A_140 = tpu.vector_load_idx %arg8[%get3A_139] : memref<1000xf32, #tpu.memory_space<vmem>>[vector<16xi32>], vector<16xf32>,
    %swap3A_141 = arith.constant 272 : index
    %swap3A_142 = tpu.vector_load %arg10[%swap3A_141] {strides = array<i32>} : memref<1024xf32, #tpu.memory_space<vmem>>, vector<16xf32>,
    tpu.vector_store %arg10[%swap3A_141], %gather3A_140 {strides = array<i32>} : memref<1024xf32, #tpu.memory_space<vmem>>, vector<16xf32>,
    %gather3A_143 = tpu.vector_load_idx %arg9[%get3A_139] : memref<1000xf32, #tpu.memory_space<vmem>>[vector<16xi32>], vector<16xf32>,
    %swap3A_144 = arith.constant 272 : index
    %swap3A_145 = tpu.vector_load %arg11[%swap3A_144] {strides = array<i32>} : memref<1024xf32, #tpu.memory_space<vmem>>, vector<16xf32>,
    tpu.vector_store %arg11[%swap3A_144], %gather3A_143 {strides = array<i32>} : memref<1024xf32, #tpu.memory_space<vmem>>, vector<16xf32>,
    %get3A_146 = arith.constant 288 : index
    %get3A_147 = tpu.vector_load %arg7[%get3A_146] {strides = array<i32>} : memref<1024xi32, #tpu.memory_space<vmem>>, vector<16xi32>,
    %gather3A_148 = tpu.vector_load_idx %arg8[%get3A_147] : memref<1000xf32, #tpu.memory_space<vmem>>[vector<16xi32>], vector<16xf32>,
    %swap3A_149 = arith.constant 288 : index
    %swap3A_150 = tpu.vector_load %arg10[%swap3A_149] {strides = array<i32>} : memref<1024xf32, #tpu.memory_space<vmem>>, vector<16xf32>,
    tpu.vector_store %arg10[%swap3A_149], %gather3A_148 {strides = array<i32>} : memref<1024xf32, #tpu.memory_space<vmem>>, vector<16xf32>,
    %gather3A_151 = tpu.vector_load_idx %arg9[%get3A_147] : memref<1000xf32, #tpu.memory_space<vmem>>[vector<16xi32>], vector<16xf32>,
    %swap3A_152 = arith.constant 288 : index
    %swap3A_153 = tpu.vector_load %arg11[%swap3A_152] {strides = array<i32>} : memref<1024xf32, #tpu.memory_space<vmem>>, vector<16xf32>,
    tpu.vector_store %arg11[%swap3A_152], %gather3A_151 {strides = array<i32>} : memref<1024xf32, #tpu.memory_space<vmem>>, vector<16xf32>,
    %get3A_154 = arith.constant 304 : index
    %get3A_155 = tpu.vector_load %arg7[%get3A_154] {strides = array<i32>} : memref<1024xi32, #tpu.memory_space<vmem>>, vector<16xi32>,
    %gather3A_156 = tpu.vector_load_idx %arg8[%get3A_155] : memref<1000xf32, #tpu.memory_space<vmem>>[vector<16xi32>], vector<16xf32>,
    %swap3A_157 = arith.constant 304 : index
    %swap3A_158 = tpu.vector_load %arg10[%swap3A_157] {strides = array<i32>} : memref<1024xf32, #tpu.memory_space<vmem>>, vector<16xf32>,
    tpu.vector_store %arg10[%swap3A_157], %gather3A_156 {strides = array<i32>} : memref<1024xf32, #tpu.memory_space<vmem>>, vector<16xf32>,
    %gather3A_159 = tpu.vector_load_idx %arg9[%get3A_155] : memref<1000xf32, #tpu.memory_space<vmem>>[vector<16xi32>], vector<16xf32>,
    %swap3A_160 = arith.constant 304 : index
    %swap3A_161 = tpu.vector_load %arg11[%swap3A_160] {strides = array<i32>} : memref<1024xf32, #tpu.memory_space<vmem>>, vector<16xf32>,
    tpu.vector_store %arg11[%swap3A_160], %gather3A_159 {strides = array<i32>} : memref<1024xf32, #tpu.memory_space<vmem>>, vector<16xf32>,
    %get3A_162 = arith.constant 320 : index
    %get3A_163 = tpu.vector_load %arg7[%get3A_162] {strides = array<i32>} : memref<1024xi32, #tpu.memory_space<vmem>>, vector<16xi32>,
    %gather3A_164 = tpu.vector_load_idx %arg8[%get3A_163] : memref<1000xf32, #tpu.memory_space<vmem>>[vector<16xi32>], vector<16xf32>,
    %swap3A_165 = arith.constant 320 : index
    %swap3A_166 = tpu.vector_load %arg10[%swap3A_165] {strides = array<i32>} : memref<1024xf32, #tpu.memory_space<vmem>>, vector<16xf32>,
    tpu.vector_store %arg10[%swap3A_165], %gather3A_164 {strides = array<i32>} : memref<1024xf32, #tpu.memory_space<vmem>>, vector<16xf32>,
    %gather3A_167 = tpu.vector_load_idx %arg9[%get3A_163] : memref<1000xf32, #tpu.memory_space<vmem>>[vector<16xi32>], vector<16xf32>,
    %swap3A_168 = arith.constant 320 : index
    %swap3A_169 = tpu.vector_load %arg11[%swap3A_168] {strides = array<i32>} : memref<1024xf32, #tpu.memory_space<vmem>>, vector<16xf32>,
    tpu.vector_store %arg11[%swap3A_168], %gather3A_167 {strides = array<i32>} : memref<1024xf32, #tpu.memory_space<vmem>>, vector<16xf32>,
    %get3A_170 = arith.constant 336 : index
    %get3A_171 = tpu.vector_load %arg7[%get3A_170] {strides = array<i32>} : memref<1024xi32, #tpu.memory_space<vmem>>, vector<16xi32>,
    %gather3A_172 = tpu.vector_load_idx %arg8[%get3A_171] : memref<1000xf32, #tpu.memory_space<vmem>>[vector<16xi32>], vector<16xf32>,
    %swap3A_173 = arith.constant 336 : index
    %swap3A_174 = tpu.vector_load %arg10[%swap3A_173] {strides = array<i32>} : memref<1024xf32, #tpu.memory_space<vmem>>, vector<16xf32>,
    tpu.vector_store %arg10[%swap3A_173], %gather3A_172 {strides = array<i32>} : memref<1024xf32, #tpu.memory_space<vmem>>, vector<16xf32>,
    %gather3A_175 = tpu.vector_load_idx %arg9[%get3A_171] : memref<1000xf32, #tpu.memory_space<vmem>>[vector<16xi32>], vector<16xf32>,
    %swap3A_176 = arith.constant 336 : index
    %swap3A_177 = tpu.vector_load %arg11[%swap3A_176] {strides = array<i32>} : memref<1024xf32, #tpu.memory_space<vmem>>, vector<16xf32>,
    tpu.vector_store %arg11[%swap3A_176], %gather3A_175 {strides = array<i32>} : memref<1024xf32, #tpu.memory_space<vmem>>, vector<16xf32>,
    %get3A_178 = arith.constant 352 : index
    %get3A_179 = tpu.vector_load %arg7[%get3A_178] {strides = array<i32>} : memref<1024xi32, #tpu.memory_space<vmem>>, vector<16xi32>,
    %gather3A_180 = tpu.vector_load_idx %arg8[%get3A_179] : memref<1000xf32, #tpu.memory_space<vmem>>[vector<16xi32>], vector<16xf32>,
    %swap3A_181 = arith.constant 352 : index
    %swap3A_182 = tpu.vector_load %arg10[%swap3A_181] {strides = array<i32>} : memref<1024xf32, #tpu.memory_space<vmem>>, vector<16xf32>,
    tpu.vector_store %arg10[%swap3A_181], %gather3A_180 {strides = array<i32>} : memref<1024xf32, #tpu.memory_space<vmem>>, vector<16xf32>,
    %gather3A_183 = tpu.vector_load_idx %arg9[%get3A_179] : memref<1000xf32, #tpu.memory_space<vmem>>[vector<16xi32>], vector<16xf32>,
    %swap3A_184 = arith.constant 352 : index
    %swap3A_185 = tpu.vector_load %arg11[%swap3A_184] {strides = array<i32>} : memref<1024xf32, #tpu.memory_space<vmem>>, vector<16xf32>,
    tpu.vector_store %arg11[%swap3A_184], %gather3A_183 {strides = array<i32>} : memref<1024xf32, #tpu.memory_space<vmem>>, vector<16xf32>,
    %get3A_186 = arith.constant 368 : index
    %get3A_187 = tpu.vector_load %arg7[%get3A_186] {strides = array<i32>} : memref<1024xi32, #tpu.memory_space<vmem>>, vector<16xi32>,
    %gather3A_188 = tpu.vector_load_idx %arg8[%get3A_187] : memref<1000xf32, #tpu.memory_space<vmem>>[vector<16xi32>], vector<16xf32>,
    %swap3A_189 = arith.constant 368 : index
    %swap3A_190 = tpu.vector_load %arg10[%swap3A_189] {strides = array<i32>} : memref<1024xf32, #tpu.memory_space<vmem>>, vector<16xf32>,
    tpu.vector_store %arg10[%swap3A_189], %gather3A_188 {strides = array<i32>} : memref<1024xf32, #tpu.memory_space<vmem>>, vector<16xf32>,
    %gather3A_191 = tpu.vector_load_idx %arg9[%get3A_187] : memref<1000xf32, #tpu.memory_space<vmem>>[vector<16xi32>], vector<16xf32>,
    %swap3A_192 = arith.constant 368 : index
    %swap3A_193 = tpu.vector_load %arg11[%swap3A_192] {strides = array<i32>} : memref<1024xf32, #tpu.memory_space<vmem>>, vector<16xf32>,
    tpu.vector_store %arg11[%swap3A_192], %gather3A_191 {strides = array<i32>} : memref<1024xf32, #tpu.memory_space<vmem>>, vector<16xf32>,
    %get3A_194 = arith.constant 384 : index
    %get3A_195 = tpu.vector_load %arg7[%get3A_194] {strides = array<i32>} : memref<1024xi32, #tpu.memory_space<vmem>>, vector<16xi32>,
    %gather3A_196 = tpu.vector_load_idx %arg8[%get3A_195] : memref<1000xf32, #tpu.memory_space<vmem>>[vector<16xi32>], vector<16xf32>,
    %swap3A_197 = arith.constant 384 : index
    %swap3A_198 = tpu.vector_load %arg10[%swap3A_197] {strides = array<i32>} : memref<1024xf32, #tpu.memory_space<vmem>>, vector<16xf32>,
    tpu.vector_store %arg10[%swap3A_197], %gather3A_196 {strides = array<i32>} : memref<1024xf32, #tpu.memory_space<vmem>>, vector<16xf32>,
    %gather3A_199 = tpu.vector_load_idx %arg9[%get3A_195] : memref<1000xf32, #tpu.memory_space<vmem>>[vector<16xi32>], vector<16xf32>,
    %swap3A_200 = arith.constant 384 : index
    %swap3A_201 = tpu.vector_load %arg11[%swap3A_200] {strides = array<i32>} : memref<1024xf32, #tpu.memory_space<vmem>>, vector<16xf32>,
    tpu.vector_store %arg11[%swap3A_200], %gather3A_199 {strides = array<i32>} : memref<1024xf32, #tpu.memory_space<vmem>>, vector<16xf32>,
    %get3A_202 = arith.constant 400 : index
    %get3A_203 = tpu.vector_load %arg7[%get3A_202] {strides = array<i32>} : memref<1024xi32, #tpu.memory_space<vmem>>, vector<16xi32>,
    %gather3A_204 = tpu.vector_load_idx %arg8[%get3A_203] : memref<1000xf32, #tpu.memory_space<vmem>>[vector<16xi32>], vector<16xf32>,
    %swap3A_205 = arith.constant 400 : index
    %swap3A_206 = tpu.vector_load %arg10[%swap3A_205] {strides = array<i32>} : memref<1024xf32, #tpu.memory_space<vmem>>, vector<16xf32>,
    tpu.vector_store %arg10[%swap3A_205], %gather3A_204 {strides = array<i32>} : memref<1024xf32, #tpu.memory_space<vmem>>, vector<16xf32>,
    %gather3A_207 = tpu.vector_load_idx %arg9[%get3A_203] : memref<1000xf32, #tpu.memory_space<vmem>>[vector<16xi32>], vector<16xf32>,
    %swap3A_208 = arith.constant 400 : index
    %swap3A_209 = tpu.vector_load %arg11[%swap3A_208] {strides = array<i32>} : memref<1024xf32, #tpu.memory_space<vmem>>, vector<16xf32>,
    tpu.vector_store %arg11[%swap3A_208], %gather3A_207 {strides = array<i32>} : memref<1024xf32, #tpu.memory_space<vmem>>, vector<16xf32>,
    %get3A_210 = arith.constant 416 : index
    %get3A_211 = tpu.vector_load %arg7[%get3A_210] {strides = array<i32>} : memref<1024xi32, #tpu.memory_space<vmem>>, vector<16xi32>,
    %gather3A_212 = tpu.vector_load_idx %arg8[%get3A_211] : memref<1000xf32, #tpu.memory_space<vmem>>[vector<16xi32>], vector<16xf32>,
    %swap3A_213 = arith.constant 416 : index
    %swap3A_214 = tpu.vector_load %arg10[%swap3A_213] {strides = array<i32>} : memref<1024xf32, #tpu.memory_space<vmem>>, vector<16xf32>,
    tpu.vector_store %arg10[%swap3A_213], %gather3A_212 {strides = array<i32>} : memref<1024xf32, #tpu.memory_space<vmem>>, vector<16xf32>,
    %gather3A_215 = tpu.vector_load_idx %arg9[%get3A_211] : memref<1000xf32, #tpu.memory_space<vmem>>[vector<16xi32>], vector<16xf32>,
    %swap3A_216 = arith.constant 416 : index
    %swap3A_217 = tpu.vector_load %arg11[%swap3A_216] {strides = array<i32>} : memref<1024xf32, #tpu.memory_space<vmem>>, vector<16xf32>,
    tpu.vector_store %arg11[%swap3A_216], %gather3A_215 {strides = array<i32>} : memref<1024xf32, #tpu.memory_space<vmem>>, vector<16xf32>,
    %get3A_218 = arith.constant 432 : index
    %get3A_219 = tpu.vector_load %arg7[%get3A_218] {strides = array<i32>} : memref<1024xi32, #tpu.memory_space<vmem>>, vector<16xi32>,
    %gather3A_220 = tpu.vector_load_idx %arg8[%get3A_219] : memref<1000xf32, #tpu.memory_space<vmem>>[vector<16xi32>], vector<16xf32>,
    %swap3A_221 = arith.constant 432 : index
    %swap3A_222 = tpu.vector_load %arg10[%swap3A_221] {strides = array<i32>} : memref<1024xf32, #tpu.memory_space<vmem>>, vector<16xf32>,
    tpu.vector_store %arg10[%swap3A_221], %gather3A_220 {strides = array<i32>} : memref<1024xf32, #tpu.memory_space<vmem>>, vector<16xf32>,
    %gather3A_223 = tpu.vector_load_idx %arg9[%get3A_219] : memref<1000xf32, #tpu.memory_space<vmem>>[vector<16xi32>], vector<16xf32>,
    %swap3A_224 = arith.constant 432 : index
    %swap3A_225 = tpu.vector_load %arg11[%swap3A_224] {strides = array<i32>} : memref<1024xf32, #tpu.memory_space<vmem>>, vector<16xf32>,
    tpu.vector_store %arg11[%swap3A_224], %gather3A_223 {strides = array<i32>} : memref<1024xf32, #tpu.memory_space<vmem>>, vector<16xf32>,
    %get3A_226 = arith.constant 448 : index
    %get3A_227 = tpu.vector_load %arg7[%get3A_226] {strides = array<i32>} : memref<1024xi32, #tpu.memory_space<vmem>>, vector<16xi32>,
    %gather3A_228 = tpu.vector_load_idx %arg8[%get3A_227] : memref<1000xf32, #tpu.memory_space<vmem>>[vector<16xi32>], vector<16xf32>,
    %swap3A_229 = arith.constant 448 : index
    %swap3A_230 = tpu.vector_load %arg10[%swap3A_229] {strides = array<i32>} : memref<1024xf32, #tpu.memory_space<vmem>>, vector<16xf32>,
    tpu.vector_store %arg10[%swap3A_229], %gather3A_228 {strides = array<i32>} : memref<1024xf32, #tpu.memory_space<vmem>>, vector<16xf32>,
    %gather3A_231 = tpu.vector_load_idx %arg9[%get3A_227] : memref<1000xf32, #tpu.memory_space<vmem>>[vector<16xi32>], vector<16xf32>,
    %swap3A_232 = arith.constant 448 : index
    %swap3A_233 = tpu.vector_load %arg11[%swap3A_232] {strides = array<i32>} : memref<1024xf32, #tpu.memory_space<vmem>>, vector<16xf32>,
    tpu.vector_store %arg11[%swap3A_232], %gather3A_231 {strides = array<i32>} : memref<1024xf32, #tpu.memory_space<vmem>>, vector<16xf32>,
    %get3A_234 = arith.constant 464 : index
    %get3A_235 = tpu.vector_load %arg7[%get3A_234] {strides = array<i32>} : memref<1024xi32, #tpu.memory_space<vmem>>, vector<16xi32>,
    %gather3A_236 = tpu.vector_load_idx %arg8[%get3A_235] : memref<1000xf32, #tpu.memory_space<vmem>>[vector<16xi32>], vector<16xf32>,
    %swap3A_237 = arith.constant 464 : index
    %swap3A_238 = tpu.vector_load %arg10[%swap3A_237] {strides = array<i32>} : memref<1024xf32, #tpu.memory_space<vmem>>, vector<16xf32>,
    tpu.vector_store %arg10[%swap3A_237], %gather3A_236 {strides = array<i32>} : memref<1024xf32, #tpu.memory_space<vmem>>, vector<16xf32>,
    %gather3A_239 = tpu.vector_load_idx %arg9[%get3A_235] : memref<1000xf32, #tpu.memory_space<vmem>>[vector<16xi32>], vector<16xf32>,
    %swap3A_240 = arith.constant 464 : index
    %swap3A_241 = tpu.vector_load %arg11[%swap3A_240] {strides = array<i32>} : memref<1024xf32, #tpu.memory_space<vmem>>, vector<16xf32>,
    tpu.vector_store %arg11[%swap3A_240], %gather3A_239 {strides = array<i32>} : memref<1024xf32, #tpu.memory_space<vmem>>, vector<16xf32>,
    %get3A_242 = arith.constant 480 : index
    %get3A_243 = tpu.vector_load %arg7[%get3A_242] {strides = array<i32>} : memref<1024xi32, #tpu.memory_space<vmem>>, vector<16xi32>,
    %gather3A_244 = tpu.vector_load_idx %arg8[%get3A_243] : memref<1000xf32, #tpu.memory_space<vmem>>[vector<16xi32>], vector<16xf32>,
    %swap3A_245 = arith.constant 480 : index
    %swap3A_246 = tpu.vector_load %arg10[%swap3A_245] {strides = array<i32>} : memref<1024xf32, #tpu.memory_space<vmem>>, vector<16xf32>,
    tpu.vector_store %arg10[%swap3A_245], %gather3A_244 {strides = array<i32>} : memref<1024xf32, #tpu.memory_space<vmem>>, vector<16xf32>,
    %gather3A_247 = tpu.vector_load_idx %arg9[%get3A_243] : memref<1000xf32, #tpu.memory_space<vmem>>[vector<16xi32>], vector<16xf32>,
    %swap3A_248 = arith.constant 480 : index
    %swap3A_249 = tpu.vector_load %arg11[%swap3A_248] {strides = array<i32>} : memref<1024xf32, #tpu.memory_space<vmem>>, vector<16xf32>,
    tpu.vector_store %arg11[%swap3A_248], %gather3A_247 {strides = array<i32>} : memref<1024xf32, #tpu.memory_space<vmem>>, vector<16xf32>,
    %get3A_250 = arith.constant 496 : index
    %get3A_251 = tpu.vector_load %arg7[%get3A_250] {strides = array<i32>} : memref<1024xi32, #tpu.memory_space<vmem>>, vector<16xi32>,
    %gather3A_252 = tpu.vector_load_idx %arg8[%get3A_251] : memref<1000xf32, #tpu.memory_space<vmem>>[vector<16xi32>], vector<16xf32>,
    %swap3A_253 = arith.constant 496 : index
    %swap3A_254 = tpu.vector_load %arg10[%swap3A_253] {strides = array<i32>} : memref<1024xf32, #tpu.memory_space<vmem>>, vector<16xf32>,
    tpu.vector_store %arg10[%swap3A_253], %gather3A_252 {strides = array<i32>} : memref<1024xf32, #tpu.memory_space<vmem>>, vector<16xf32>,
    %gather3A_255 = tpu.vector_load_idx %arg9[%get3A_251] : memref<1000xf32, #tpu.memory_space<vmem>>[vector<16xi32>], vector<16xf32>,
    %swap3A_256 = arith.constant 496 : index
    %swap3A_257 = tpu.vector_load %arg11[%swap3A_256] {strides = array<i32>} : memref<1024xf32, #tpu.memory_space<vmem>>, vector<16xf32>,
    tpu.vector_store %arg11[%swap3A_256], %gather3A_255 {strides = array<i32>} : memref<1024xf32, #tpu.memory_space<vmem>>, vector<16xf32>,
    %get3A_258 = arith.constant 512 : index
    %get3A_259 = tpu.vector_load %arg7[%get3A_258] {strides = array<i32>} : memref<1024xi32, #tpu.memory_space<vmem>>, vector<16xi32>,
    %gather3A_260 = tpu.vector_load_idx %arg8[%get3A_259] : memref<1000xf32, #tpu.memory_space<vmem>>[vector<16xi32>], vector<16xf32>,
    %swap3A_261 = arith.constant 512 : index
    %swap3A_262 = tpu.vector_load %arg10[%swap3A_261] {strides = array<i32>} : memref<1024xf32, #tpu.memory_space<vmem>>, vector<16xf32>,
    tpu.vector_store %arg10[%swap3A_261], %gather3A_260 {strides = array<i32>} : memref<1024xf32, #tpu.memory_space<vmem>>, vector<16xf32>,
    %gather3A_263 = tpu.vector_load_idx %arg9[%get3A_259] : memref<1000xf32, #tpu.memory_space<vmem>>[vector<16xi32>], vector<16xf32>,
    %swap3A_264 = arith.constant 512 : index
    %swap3A_265 = tpu.vector_load %arg11[%swap3A_264] {strides = array<i32>} : memref<1024xf32, #tpu.memory_space<vmem>>, vector<16xf32>,
    tpu.vector_store %arg11[%swap3A_264], %gather3A_263 {strides = array<i32>} : memref<1024xf32, #tpu.memory_space<vmem>>, vector<16xf32>,
    %get3A_266 = arith.constant 528 : index
    %get3A_267 = tpu.vector_load %arg7[%get3A_266] {strides = array<i32>} : memref<1024xi32, #tpu.memory_space<vmem>>, vector<16xi32>,
    %gather3A_268 = tpu.vector_load_idx %arg8[%get3A_267] : memref<1000xf32, #tpu.memory_space<vmem>>[vector<16xi32>], vector<16xf32>,
    %swap3A_269 = arith.constant 528 : index
    %swap3A_270 = tpu.vector_load %arg10[%swap3A_269] {strides = array<i32>} : memref<1024xf32, #tpu.memory_space<vmem>>, vector<16xf32>,
    tpu.vector_store %arg10[%swap3A_269], %gather3A_268 {strides = array<i32>} : memref<1024xf32, #tpu.memory_space<vmem>>, vector<16xf32>,
    %gather3A_271 = tpu.vector_load_idx %arg9[%get3A_267] : memref<1000xf32, #tpu.memory_space<vmem>>[vector<16xi32>], vector<16xf32>,
    %swap3A_272 = arith.constant 528 : index
    %swap3A_273 = tpu.vector_load %arg11[%swap3A_272] {strides = array<i32>} : memref<1024xf32, #tpu.memory_space<vmem>>, vector<16xf32>,
    tpu.vector_store %arg11[%swap3A_272], %gather3A_271 {strides = array<i32>} : memref<1024xf32, #tpu.memory_space<vmem>>, vector<16xf32>,
    %get3A_274 = arith.constant 544 : index
    %get3A_275 = tpu.vector_load %arg7[%get3A_274] {strides = array<i32>} : memref<1024xi32, #tpu.memory_space<vmem>>, vector<16xi32>,
    %gather3A_276 = tpu.vector_load_idx %arg8[%get3A_275] : memref<1000xf32, #tpu.memory_space<vmem>>[vector<16xi32>], vector<16xf32>,
    %swap3A_277 = arith.constant 544 : index
    %swap3A_278 = tpu.vector_load %arg10[%swap3A_277] {strides = array<i32>} : memref<1024xf32, #tpu.memory_space<vmem>>, vector<16xf32>,
    tpu.vector_store %arg10[%swap3A_277], %gather3A_276 {strides = array<i32>} : memref<1024xf32, #tpu.memory_space<vmem>>, vector<16xf32>,
    %gather3A_279 = tpu.vector_load_idx %arg9[%get3A_275] : memref<1000xf32, #tpu.memory_space<vmem>>[vector<16xi32>], vector<16xf32>,
    %swap3A_280 = arith.constant 544 : index
    %swap3A_281 = tpu.vector_load %arg11[%swap3A_280] {strides = array<i32>} : memref<1024xf32, #tpu.memory_space<vmem>>, vector<16xf32>,
    tpu.vector_store %arg11[%swap3A_280], %gather3A_279 {strides = array<i32>} : memref<1024xf32, #tpu.memory_space<vmem>>, vector<16xf32>,
    %get3A_282 = arith.constant 560 : index
    %get3A_283 = tpu.vector_load %arg7[%get3A_282] {strides = array<i32>} : memref<1024xi32, #tpu.memory_space<vmem>>, vector<16xi32>,
    %gather3A_284 = tpu.vector_load_idx %arg8[%get3A_283] : memref<1000xf32, #tpu.memory_space<vmem>>[vector<16xi32>], vector<16xf32>,
    %swap3A_285 = arith.constant 560 : index
    %swap3A_286 = tpu.vector_load %arg10[%swap3A_285] {strides = array<i32>} : memref<1024xf32, #tpu.memory_space<vmem>>, vector<16xf32>,
    tpu.vector_store %arg10[%swap3A_285], %gather3A_284 {strides = array<i32>} : memref<1024xf32, #tpu.memory_space<vmem>>, vector<16xf32>,
    %gather3A_287 = tpu.vector_load_idx %arg9[%get3A_283] : memref<1000xf32, #tpu.memory_space<vmem>>[vector<16xi32>], vector<16xf32>,
    %swap3A_288 = arith.constant 560 : index
    %swap3A_289 = tpu.vector_load %arg11[%swap3A_288] {strides = array<i32>} : memref<1024xf32, #tpu.memory_space<vmem>>, vector<16xf32>,
    tpu.vector_store %arg11[%swap3A_288], %gather3A_287 {strides = array<i32>} : memref<1024xf32, #tpu.memory_space<vmem>>, vector<16xf32>,
    %get3A_290 = arith.constant 576 : index
    %get3A_291 = tpu.vector_load %arg7[%get3A_290] {strides = array<i32>} : memref<1024xi32, #tpu.memory_space<vmem>>, vector<16xi32>,
    %gather3A_292 = tpu.vector_load_idx %arg8[%get3A_291] : memref<1000xf32, #tpu.memory_space<vmem>>[vector<16xi32>], vector<16xf32>,
    %swap3A_293 = arith.constant 576 : index
    %swap3A_294 = tpu.vector_load %arg10[%swap3A_293] {strides = array<i32>} : memref<1024xf32, #tpu.memory_space<vmem>>, vector<16xf32>,
    tpu.vector_store %arg10[%swap3A_293], %gather3A_292 {strides = array<i32>} : memref<1024xf32, #tpu.memory_space<vmem>>, vector<16xf32>,
    %gather3A_295 = tpu.vector_load_idx %arg9[%get3A_291] : memref<1000xf32, #tpu.memory_space<vmem>>[vector<16xi32>], vector<16xf32>,
    %swap3A_296 = arith.constant 576 : index
    %swap3A_297 = tpu.vector_load %arg11[%swap3A_296] {strides = array<i32>} : memref<1024xf32, #tpu.memory_space<vmem>>, vector<16xf32>,
    tpu.vector_store %arg11[%swap3A_296], %gather3A_295 {strides = array<i32>} : memref<1024xf32, #tpu.memory_space<vmem>>, vector<16xf32>,
    %get3A_298 = arith.constant 592 : index
    %get3A_299 = tpu.vector_load %arg7[%get3A_298] {strides = array<i32>} : memref<1024xi32, #tpu.memory_space<vmem>>, vector<16xi32>,
    %gather3A_300 = tpu.vector_load_idx %arg8[%get3A_299] : memref<1000xf32, #tpu.memory_space<vmem>>[vector<16xi32>], vector<16xf32>,
    %swap3A_301 = arith.constant 592 : index
    %swap3A_302 = tpu.vector_load %arg10[%swap3A_301] {strides = array<i32>} : memref<1024xf32, #tpu.memory_space<vmem>>, vector<16xf32>,
    tpu.vector_store %arg10[%swap3A_301], %gather3A_300 {strides = array<i32>} : memref<1024xf32, #tpu.memory_space<vmem>>, vector<16xf32>,
    %gather3A_303 = tpu.vector_load_idx %arg9[%get3A_299] : memref<1000xf32, #tpu.memory_space<vmem>>[vector<16xi32>], vector<16xf32>,
    %swap3A_304 = arith.constant 592 : index
    %swap3A_305 = tpu.vector_load %arg11[%swap3A_304] {strides = array<i32>} : memref<1024xf32, #tpu.memory_space<vmem>>, vector<16xf32>,
    tpu.vector_store %arg11[%swap3A_304], %gather3A_303 {strides = array<i32>} : memref<1024xf32, #tpu.memory_space<vmem>>, vector<16xf32>,
    %get3A_306 = arith.constant 608 : index
    %get3A_307 = tpu.vector_load %arg7[%get3A_306] {strides = array<i32>} : memref<1024xi32, #tpu.memory_space<vmem>>, vector<16xi32>,
    %gather3A_308 = tpu.vector_load_idx %arg8[%get3A_307] : memref<1000xf32, #tpu.memory_space<vmem>>[vector<16xi32>], vector<16xf32>,
    %swap3A_309 = arith.constant 608 : index
    %swap3A_310 = tpu.vector_load %arg10[%swap3A_309] {strides = array<i32>} : memref<1024xf32, #tpu.memory_space<vmem>>, vector<16xf32>,
    tpu.vector_store %arg10[%swap3A_309], %gather3A_308 {strides = array<i32>} : memref<1024xf32, #tpu.memory_space<vmem>>, vector<16xf32>,
    %gather3A_311 = tpu.vector_load_idx %arg9[%get3A_307] : memref<1000xf32, #tpu.memory_space<vmem>>[vector<16xi32>], vector<16xf32>,
    %swap3A_312 = arith.constant 608 : index
    %swap3A_313 = tpu.vector_load %arg11[%swap3A_312] {strides = array<i32>} : memref<1024xf32, #tpu.memory_space<vmem>>, vector<16xf32>,
    tpu.vector_store %arg11[%swap3A_312], %gather3A_311 {strides = array<i32>} : memref<1024xf32, #tpu.memory_space<vmem>>, vector<16xf32>,
    %get3A_314 = arith.constant 624 : index
    %get3A_315 = tpu.vector_load %arg7[%get3A_314] {strides = array<i32>} : memref<1024xi32, #tpu.memory_space<vmem>>, vector<16xi32>,
    %gather3A_316 = tpu.vector_load_idx %arg8[%get3A_315] : memref<1000xf32, #tpu.memory_space<vmem>>[vector<16xi32>], vector<16xf32>,
    %swap3A_317 = arith.constant 624 : index
    %swap3A_318 = tpu.vector_load %arg10[%swap3A_317] {strides = array<i32>} : memref<1024xf32, #tpu.memory_space<vmem>>, vector<16xf32>,
    tpu.vector_store %arg10[%swap3A_317], %gather3A_316 {strides = array<i32>} : memref<1024xf32, #tpu.memory_space<vmem>>, vector<16xf32>,
    %gather3A_319 = tpu.vector_load_idx %arg9[%get3A_315] : memref<1000xf32, #tpu.memory_space<vmem>>[vector<16xi32>], vector<16xf32>,
    %swap3A_320 = arith.constant 624 : index
    %swap3A_321 = tpu.vector_load %arg11[%swap3A_320] {strides = array<i32>} : memref<1024xf32, #tpu.memory_space<vmem>>, vector<16xf32>,
    tpu.vector_store %arg11[%swap3A_320], %gather3A_319 {strides = array<i32>} : memref<1024xf32, #tpu.memory_space<vmem>>, vector<16xf32>,
    %get3A_322 = arith.constant 640 : index
    %get3A_323 = tpu.vector_load %arg7[%get3A_322] {strides = array<i32>} : memref<1024xi32, #tpu.memory_space<vmem>>, vector<16xi32>,
    %gather3A_324 = tpu.vector_load_idx %arg8[%get3A_323] : memref<1000xf32, #tpu.memory_space<vmem>>[vector<16xi32>], vector<16xf32>,
    %swap3A_325 = arith.constant 640 : index
    %swap3A_326 = tpu.vector_load %arg10[%swap3A_325] {strides = array<i32>} : memref<1024xf32, #tpu.memory_space<vmem>>, vector<16xf32>,
    tpu.vector_store %arg10[%swap3A_325], %gather3A_324 {strides = array<i32>} : memref<1024xf32, #tpu.memory_space<vmem>>, vector<16xf32>,
    %gather3A_327 = tpu.vector_load_idx %arg9[%get3A_323] : memref<1000xf32, #tpu.memory_space<vmem>>[vector<16xi32>], vector<16xf32>,
    %swap3A_328 = arith.constant 640 : index
    %swap3A_329 = tpu.vector_load %arg11[%swap3A_328] {strides = array<i32>} : memref<1024xf32, #tpu.memory_space<vmem>>, vector<16xf32>,
    tpu.vector_store %arg11[%swap3A_328], %gather3A_327 {strides = array<i32>} : memref<1024xf32, #tpu.memory_space<vmem>>, vector<16xf32>,
    %get3A_330 = arith.constant 656 : index
    %get3A_331 = tpu.vector_load %arg7[%get3A_330] {strides = array<i32>} : memref<1024xi32, #tpu.memory_space<vmem>>, vector<16xi32>,
    %gather3A_332 = tpu.vector_load_idx %arg8[%get3A_331] : memref<1000xf32, #tpu.memory_space<vmem>>[vector<16xi32>], vector<16xf32>,
    %swap3A_333 = arith.constant 656 : index
    %swap3A_334 = tpu.vector_load %arg10[%swap3A_333] {strides = array<i32>} : memref<1024xf32, #tpu.memory_space<vmem>>, vector<16xf32>,
    tpu.vector_store %arg10[%swap3A_333], %gather3A_332 {strides = array<i32>} : memref<1024xf32, #tpu.memory_space<vmem>>, vector<16xf32>,
    %gather3A_335 = tpu.vector_load_idx %arg9[%get3A_331] : memref<1000xf32, #tpu.memory_space<vmem>>[vector<16xi32>], vector<16xf32>,
    %swap3A_336 = arith.constant 656 : index
    %swap3A_337 = tpu.vector_load %arg11[%swap3A_336] {strides = array<i32>} : memref<1024xf32, #tpu.memory_space<vmem>>, vector<16xf32>,
    tpu.vector_store %arg11[%swap3A_336], %gather3A_335 {strides = array<i32>} : memref<1024xf32, #tpu.memory_space<vmem>>, vector<16xf32>,
    %get3A_338 = arith.constant 672 : index
    %get3A_339 = tpu.vector_load %arg7[%get3A_338] {strides = array<i32>} : memref<1024xi32, #tpu.memory_space<vmem>>, vector<16xi32>,
    %gather3A_340 = tpu.vector_load_idx %arg8[%get3A_339] : memref<1000xf32, #tpu.memory_space<vmem>>[vector<16xi32>], vector<16xf32>,
    %swap3A_341 = arith.constant 672 : index
    %swap3A_342 = tpu.vector_load %arg10[%swap3A_341] {strides = array<i32>} : memref<1024xf32, #tpu.memory_space<vmem>>, vector<16xf32>,
    tpu.vector_store %arg10[%swap3A_341], %gather3A_340 {strides = array<i32>} : memref<1024xf32, #tpu.memory_space<vmem>>, vector<16xf32>,
    %gather3A_343 = tpu.vector_load_idx %arg9[%get3A_339] : memref<1000xf32, #tpu.memory_space<vmem>>[vector<16xi32>], vector<16xf32>,
    %swap3A_344 = arith.constant 672 : index
    %swap3A_345 = tpu.vector_load %arg11[%swap3A_344] {strides = array<i32>} : memref<1024xf32, #tpu.memory_space<vmem>>, vector<16xf32>,
    tpu.vector_store %arg11[%swap3A_344], %gather3A_343 {strides = array<i32>} : memref<1024xf32, #tpu.memory_space<vmem>>, vector<16xf32>,
    %get3A_346 = arith.constant 688 : index
    %get3A_347 = tpu.vector_load %arg7[%get3A_346] {strides = array<i32>} : memref<1024xi32, #tpu.memory_space<vmem>>, vector<16xi32>,
    %gather3A_348 = tpu.vector_load_idx %arg8[%get3A_347] : memref<1000xf32, #tpu.memory_space<vmem>>[vector<16xi32>], vector<16xf32>,
    %swap3A_349 = arith.constant 688 : index
    %swap3A_350 = tpu.vector_load %arg10[%swap3A_349] {strides = array<i32>} : memref<1024xf32, #tpu.memory_space<vmem>>, vector<16xf32>,
    tpu.vector_store %arg10[%swap3A_349], %gather3A_348 {strides = array<i32>} : memref<1024xf32, #tpu.memory_space<vmem>>, vector<16xf32>,
    %gather3A_351 = tpu.vector_load_idx %arg9[%get3A_347] : memref<1000xf32, #tpu.memory_space<vmem>>[vector<16xi32>], vector<16xf32>,
    %swap3A_352 = arith.constant 688 : index
    %swap3A_353 = tpu.vector_load %arg11[%swap3A_352] {strides = array<i32>} : memref<1024xf32, #tpu.memory_space<vmem>>, vector<16xf32>,
    tpu.vector_store %arg11[%swap3A_352], %gather3A_351 {strides = array<i32>} : memref<1024xf32, #tpu.memory_space<vmem>>, vector<16xf32>,
    %get3A_354 = arith.constant 704 : index
    %get3A_355 = tpu.vector_load %arg7[%get3A_354] {strides = array<i32>} : memref<1024xi32, #tpu.memory_space<vmem>>, vector<16xi32>,
    %gather3A_356 = tpu.vector_load_idx %arg8[%get3A_355] : memref<1000xf32, #tpu.memory_space<vmem>>[vector<16xi32>], vector<16xf32>,
    %swap3A_357 = arith.constant 704 : index
    %swap3A_358 = tpu.vector_load %arg10[%swap3A_357] {strides = array<i32>} : memref<1024xf32, #tpu.memory_space<vmem>>, vector<16xf32>,
    tpu.vector_store %arg10[%swap3A_357], %gather3A_356 {strides = array<i32>} : memref<1024xf32, #tpu.memory_space<vmem>>, vector<16xf32>,
    %gather3A_359 = tpu.vector_load_idx %arg9[%get3A_355] : memref<1000xf32, #tpu.memory_space<vmem>>[vector<16xi32>], vector<16xf32>,
    %swap3A_360 = arith.constant 704 : index
    %swap3A_361 = tpu.vector_load %arg11[%swap3A_360] {strides = array<i32>} : memref<1024xf32, #tpu.memory_space<vmem>>, vector<16xf32>,
    tpu.vector_store %arg11[%swap3A_360], %gather3A_359 {strides = array<i32>} : memref<1024xf32, #tpu.memory_space<vmem>>, vector<16xf32>,
    %get3A_362 = arith.constant 720 : index
    %get3A_363 = tpu.vector_load %arg7[%get3A_362] {strides = array<i32>} : memref<1024xi32, #tpu.memory_space<vmem>>, vector<16xi32>,
    %gather3A_364 = tpu.vector_load_idx %arg8[%get3A_363] : memref<1000xf32, #tpu.memory_space<vmem>>[vector<16xi32>], vector<16xf32>,
    %swap3A_365 = arith.constant 720 : index
    %swap3A_366 = tpu.vector_load %arg10[%swap3A_365] {strides = array<i32>} : memref<1024xf32, #tpu.memory_space<vmem>>, vector<16xf32>,
    tpu.vector_store %arg10[%swap3A_365], %gather3A_364 {strides = array<i32>} : memref<1024xf32, #tpu.memory_space<vmem>>, vector<16xf32>,
    %gather3A_367 = tpu.vector_load_idx %arg9[%get3A_363] : memref<1000xf32, #tpu.memory_space<vmem>>[vector<16xi32>], vector<16xf32>,
    %swap3A_368 = arith.constant 720 : index
    %swap3A_369 = tpu.vector_load %arg11[%swap3A_368] {strides = array<i32>} : memref<1024xf32, #tpu.memory_space<vmem>>, vector<16xf32>,
    tpu.vector_store %arg11[%swap3A_368], %gather3A_367 {strides = array<i32>} : memref<1024xf32, #tpu.memory_space<vmem>>, vector<16xf32>,
    %get3A_370 = arith.constant 736 : index
    %get3A_371 = tpu.vector_load %arg7[%get3A_370] {strides = array<i32>} : memref<1024xi32, #tpu.memory_space<vmem>>, vector<16xi32>,
    %gather3A_372 = tpu.vector_load_idx %arg8[%get3A_371] : memref<1000xf32, #tpu.memory_space<vmem>>[vector<16xi32>], vector<16xf32>,
    %swap3A_373 = arith.constant 736 : index
    %swap3A_374 = tpu.vector_load %arg10[%swap3A_373] {strides = array<i32>} : memref<1024xf32, #tpu.memory_space<vmem>>, vector<16xf32>,
    tpu.vector_store %arg10[%swap3A_373], %gather3A_372 {strides = array<i32>} : memref<1024xf32, #tpu.memory_space<vmem>>, vector<16xf32>,
    %gather3A_375 = tpu.vector_load_idx %arg9[%get3A_371] : memref<1000xf32, #tpu.memory_space<vmem>>[vector<16xi32>], vector<16xf32>,
    %swap3A_376 = arith.constant 736 : index
    %swap3A_377 = tpu.vector_load %arg11[%swap3A_376] {strides = array<i32>} : memref<1024xf32, #tpu.memory_space<vmem>>, vector<16xf32>,
    tpu.vector_store %arg11[%swap3A_376], %gather3A_375 {strides = array<i32>} : memref<1024xf32, #tpu.memory_space<vmem>>, vector<16xf32>,
    %get3A_378 = arith.constant 752 : index
    %get3A_379 = tpu.vector_load %arg7[%get3A_378] {strides = array<i32>} : memref<1024xi32, #tpu.memory_space<vmem>>, vector<16xi32>,
    %gather3A_380 = tpu.vector_load_idx %arg8[%get3A_379] : memref<1000xf32, #tpu.memory_space<vmem>>[vector<16xi32>], vector<16xf32>,
    %swap3A_381 = arith.constant 752 : index
    %swap3A_382 = tpu.vector_load %arg10[%swap3A_381] {strides = array<i32>} : memref<1024xf32, #tpu.memory_space<vmem>>, vector<16xf32>,
    tpu.vector_store %arg10[%swap3A_381], %gather3A_380 {strides = array<i32>} : memref<1024xf32, #tpu.memory_space<vmem>>, vector<16xf32>,
    %gather3A_383 = tpu.vector_load_idx %arg9[%get3A_379] : memref<1000xf32, #tpu.memory_space<vmem>>[vector<16xi32>], vector<16xf32>,
    %swap3A_384 = arith.constant 752 : index
    %swap3A_385 = tpu.vector_load %arg11[%swap3A_384] {strides = array<i32>} : memref<1024xf32, #tpu.memory_space<vmem>>, vector<16xf32>,
    tpu.vector_store %arg11[%swap3A_384], %gather3A_383 {strides = array<i32>} : memref<1024xf32, #tpu.memory_space<vmem>>, vector<16xf32>,
    %get3A_386 = arith.constant 768 : index
    %get3A_387 = tpu.vector_load %arg7[%get3A_386] {strides = array<i32>} : memref<1024xi32, #tpu.memory_space<vmem>>, vector<16xi32>,
    %gather3A_388 = tpu.vector_load_idx %arg8[%get3A_387] : memref<1000xf32, #tpu.memory_space<vmem>>[vector<16xi32>], vector<16xf32>,
    %swap3A_389 = arith.constant 768 : index
    %swap3A_390 = tpu.vector_load %arg10[%swap3A_389] {strides = array<i32>} : memref<1024xf32, #tpu.memory_space<vmem>>, vector<16xf32>,
    tpu.vector_store %arg10[%swap3A_389], %gather3A_388 {strides = array<i32>} : memref<1024xf32, #tpu.memory_space<vmem>>, vector<16xf32>,
    %gather3A_391 = tpu.vector_load_idx %arg9[%get3A_387] : memref<1000xf32, #tpu.memory_space<vmem>>[vector<16xi32>], vector<16xf32>,
    %swap3A_392 = arith.constant 768 : index
    %swap3A_393 = tpu.vector_load %arg11[%swap3A_392] {strides = array<i32>} : memref<1024xf32, #tpu.memory_space<vmem>>, vector<16xf32>,
    tpu.vector_store %arg11[%swap3A_392], %gather3A_391 {strides = array<i32>} : memref<1024xf32, #tpu.memory_space<vmem>>, vector<16xf32>,
    %get3A_394 = arith.constant 784 : index
    %get3A_395 = tpu.vector_load %arg7[%get3A_394] {strides = array<i32>} : memref<1024xi32, #tpu.memory_space<vmem>>, vector<16xi32>,
    %gather3A_396 = tpu.vector_load_idx %arg8[%get3A_395] : memref<1000xf32, #tpu.memory_space<vmem>>[vector<16xi32>], vector<16xf32>,
    %swap3A_397 = arith.constant 784 : index
    %swap3A_398 = tpu.vector_load %arg10[%swap3A_397] {strides = array<i32>} : memref<1024xf32, #tpu.memory_space<vmem>>, vector<16xf32>,
    tpu.vector_store %arg10[%swap3A_397], %gather3A_396 {strides = array<i32>} : memref<1024xf32, #tpu.memory_space<vmem>>, vector<16xf32>,
    %gather3A_399 = tpu.vector_load_idx %arg9[%get3A_395] : memref<1000xf32, #tpu.memory_space<vmem>>[vector<16xi32>], vector<16xf32>,
    %swap3A_400 = arith.constant 784 : index
    %swap3A_401 = tpu.vector_load %arg11[%swap3A_400] {strides = array<i32>} : memref<1024xf32, #tpu.memory_space<vmem>>, vector<16xf32>,
    tpu.vector_store %arg11[%swap3A_400], %gather3A_399 {strides = array<i32>} : memref<1024xf32, #tpu.memory_space<vmem>>, vector<16xf32>,
    %get3A_402 = arith.constant 800 : index
    %get3A_403 = tpu.vector_load %arg7[%get3A_402] {strides = array<i32>} : memref<1024xi32, #tpu.memory_space<vmem>>, vector<16xi32>,
    %gather3A_404 = tpu.vector_load_idx %arg8[%get3A_403] : memref<1000xf32, #tpu.memory_space<vmem>>[vector<16xi32>], vector<16xf32>,
    %swap3A_405 = arith.constant 800 : index
    %swap3A_406 = tpu.vector_load %arg10[%swap3A_405] {strides = array<i32>} : memref<1024xf32, #tpu.memory_space<vmem>>, vector<16xf32>,
    tpu.vector_store %arg10[%swap3A_405], %gather3A_404 {strides = array<i32>} : memref<1024xf32, #tpu.memory_space<vmem>>, vector<16xf32>,
    %gather3A_407 = tpu.vector_load_idx %arg9[%get3A_403] : memref<1000xf32, #tpu.memory_space<vmem>>[vector<16xi32>], vector<16xf32>,
    %swap3A_408 = arith.constant 800 : index
    %swap3A_409 = tpu.vector_load %arg11[%swap3A_408] {strides = array<i32>} : memref<1024xf32, #tpu.memory_space<vmem>>, vector<16xf32>,
    tpu.vector_store %arg11[%swap3A_408], %gather3A_407 {strides = array<i32>} : memref<1024xf32, #tpu.memory_space<vmem>>, vector<16xf32>,
    %get3A_410 = arith.constant 816 : index
    %get3A_411 = tpu.vector_load %arg7[%get3A_410] {strides = array<i32>} : memref<1024xi32, #tpu.memory_space<vmem>>, vector<16xi32>,
    %gather3A_412 = tpu.vector_load_idx %arg8[%get3A_411] : memref<1000xf32, #tpu.memory_space<vmem>>[vector<16xi32>], vector<16xf32>,
    %swap3A_413 = arith.constant 816 : index
    %swap3A_414 = tpu.vector_load %arg10[%swap3A_413] {strides = array<i32>} : memref<1024xf32, #tpu.memory_space<vmem>>, vector<16xf32>,
    tpu.vector_store %arg10[%swap3A_413], %gather3A_412 {strides = array<i32>} : memref<1024xf32, #tpu.memory_space<vmem>>, vector<16xf32>,
    %gather3A_415 = tpu.vector_load_idx %arg9[%get3A_411] : memref<1000xf32, #tpu.memory_space<vmem>>[vector<16xi32>], vector<16xf32>,
    %swap3A_416 = arith.constant 816 : index
    %swap3A_417 = tpu.vector_load %arg11[%swap3A_416] {strides = array<i32>} : memref<1024xf32, #tpu.memory_space<vmem>>, vector<16xf32>,
    tpu.vector_store %arg11[%swap3A_416], %gather3A_415 {strides = array<i32>} : memref<1024xf32, #tpu.memory_space<vmem>>, vector<16xf32>,
    %get3A_418 = arith.constant 832 : index
    %get3A_419 = tpu.vector_load %arg7[%get3A_418] {strides = array<i32>} : memref<1024xi32, #tpu.memory_space<vmem>>, vector<16xi32>,
    %gather3A_420 = tpu.vector_load_idx %arg8[%get3A_419] : memref<1000xf32, #tpu.memory_space<vmem>>[vector<16xi32>], vector<16xf32>,
    %swap3A_421 = arith.constant 832 : index
    %swap3A_422 = tpu.vector_load %arg10[%swap3A_421] {strides = array<i32>} : memref<1024xf32, #tpu.memory_space<vmem>>, vector<16xf32>,
    tpu.vector_store %arg10[%swap3A_421], %gather3A_420 {strides = array<i32>} : memref<1024xf32, #tpu.memory_space<vmem>>, vector<16xf32>,
    %gather3A_423 = tpu.vector_load_idx %arg9[%get3A_419] : memref<1000xf32, #tpu.memory_space<vmem>>[vector<16xi32>], vector<16xf32>,
    %swap3A_424 = arith.constant 832 : index
    %swap3A_425 = tpu.vector_load %arg11[%swap3A_424] {strides = array<i32>} : memref<1024xf32, #tpu.memory_space<vmem>>, vector<16xf32>,
    tpu.vector_store %arg11[%swap3A_424], %gather3A_423 {strides = array<i32>} : memref<1024xf32, #tpu.memory_space<vmem>>, vector<16xf32>,
    %get3A_426 = arith.constant 848 : index
    %get3A_427 = tpu.vector_load %arg7[%get3A_426] {strides = array<i32>} : memref<1024xi32, #tpu.memory_space<vmem>>, vector<16xi32>,
    %gather3A_428 = tpu.vector_load_idx %arg8[%get3A_427] : memref<1000xf32, #tpu.memory_space<vmem>>[vector<16xi32>], vector<16xf32>,
    %swap3A_429 = arith.constant 848 : index
    %swap3A_430 = tpu.vector_load %arg10[%swap3A_429] {strides = array<i32>} : memref<1024xf32, #tpu.memory_space<vmem>>, vector<16xf32>,
    tpu.vector_store %arg10[%swap3A_429], %gather3A_428 {strides = array<i32>} : memref<1024xf32, #tpu.memory_space<vmem>>, vector<16xf32>,
    %gather3A_431 = tpu.vector_load_idx %arg9[%get3A_427] : memref<1000xf32, #tpu.memory_space<vmem>>[vector<16xi32>], vector<16xf32>,
    %swap3A_432 = arith.constant 848 : index
    %swap3A_433 = tpu.vector_load %arg11[%swap3A_432] {strides = array<i32>} : memref<1024xf32, #tpu.memory_space<vmem>>, vector<16xf32>,
    tpu.vector_store %arg11[%swap3A_432], %gather3A_431 {strides = array<i32>} : memref<1024xf32, #tpu.memory_space<vmem>>, vector<16xf32>,
    %get3A_434 = arith.constant 864 : index
    %get3A_435 = tpu.vector_load %arg7[%get3A_434] {strides = array<i32>} : memref<1024xi32, #tpu.memory_space<vmem>>, vector<16xi32>,
    %gather3A_436 = tpu.vector_load_idx %arg8[%get3A_435] : memref<1000xf32, #tpu.memory_space<vmem>>[vector<16xi32>], vector<16xf32>,
    %swap3A_437 = arith.constant 864 : index
    %swap3A_438 = tpu.vector_load %arg10[%swap3A_437] {strides = array<i32>} : memref<1024xf32, #tpu.memory_space<vmem>>, vector<16xf32>,
    tpu.vector_store %arg10[%swap3A_437], %gather3A_436 {strides = array<i32>} : memref<1024xf32, #tpu.memory_space<vmem>>, vector<16xf32>,
    %gather3A_439 = tpu.vector_load_idx %arg9[%get3A_435] : memref<1000xf32, #tpu.memory_space<vmem>>[vector<16xi32>], vector<16xf32>,
    %swap3A_440 = arith.constant 864 : index
    %swap3A_441 = tpu.vector_load %arg11[%swap3A_440] {strides = array<i32>} : memref<1024xf32, #tpu.memory_space<vmem>>, vector<16xf32>,
    tpu.vector_store %arg11[%swap3A_440], %gather3A_439 {strides = array<i32>} : memref<1024xf32, #tpu.memory_space<vmem>>, vector<16xf32>,
    %get3A_442 = arith.constant 880 : index
    %get3A_443 = tpu.vector_load %arg7[%get3A_442] {strides = array<i32>} : memref<1024xi32, #tpu.memory_space<vmem>>, vector<16xi32>,
    %gather3A_444 = tpu.vector_load_idx %arg8[%get3A_443] : memref<1000xf32, #tpu.memory_space<vmem>>[vector<16xi32>], vector<16xf32>,
    %swap3A_445 = arith.constant 880 : index
    %swap3A_446 = tpu.vector_load %arg10[%swap3A_445] {strides = array<i32>} : memref<1024xf32, #tpu.memory_space<vmem>>, vector<16xf32>,
    tpu.vector_store %arg10[%swap3A_445], %gather3A_444 {strides = array<i32>} : memref<1024xf32, #tpu.memory_space<vmem>>, vector<16xf32>,
    %gather3A_447 = tpu.vector_load_idx %arg9[%get3A_443] : memref<1000xf32, #tpu.memory_space<vmem>>[vector<16xi32>], vector<16xf32>,
    %swap3A_448 = arith.constant 880 : index
    %swap3A_449 = tpu.vector_load %arg11[%swap3A_448] {strides = array<i32>} : memref<1024xf32, #tpu.memory_space<vmem>>, vector<16xf32>,
    tpu.vector_store %arg11[%swap3A_448], %gather3A_447 {strides = array<i32>} : memref<1024xf32, #tpu.memory_space<vmem>>, vector<16xf32>,
    %get3A_450 = arith.constant 896 : index
    %get3A_451 = tpu.vector_load %arg7[%get3A_450] {strides = array<i32>} : memref<1024xi32, #tpu.memory_space<vmem>>, vector<16xi32>,
    %gather3A_452 = tpu.vector_load_idx %arg8[%get3A_451] : memref<1000xf32, #tpu.memory_space<vmem>>[vector<16xi32>], vector<16xf32>,
    %swap3A_453 = arith.constant 896 : index
    %swap3A_454 = tpu.vector_load %arg10[%swap3A_453] {strides = array<i32>} : memref<1024xf32, #tpu.memory_space<vmem>>, vector<16xf32>,
    tpu.vector_store %arg10[%swap3A_453], %gather3A_452 {strides = array<i32>} : memref<1024xf32, #tpu.memory_space<vmem>>, vector<16xf32>,
    %gather3A_455 = tpu.vector_load_idx %arg9[%get3A_451] : memref<1000xf32, #tpu.memory_space<vmem>>[vector<16xi32>], vector<16xf32>,
    %swap3A_456 = arith.constant 896 : index
    %swap3A_457 = tpu.vector_load %arg11[%swap3A_456] {strides = array<i32>} : memref<1024xf32, #tpu.memory_space<vmem>>, vector<16xf32>,
    tpu.vector_store %arg11[%swap3A_456], %gather3A_455 {strides = array<i32>} : memref<1024xf32, #tpu.memory_space<vmem>>, vector<16xf32>,
    %get3A_458 = arith.constant 912 : index
    %get3A_459 = tpu.vector_load %arg7[%get3A_458] {strides = array<i32>} : memref<1024xi32, #tpu.memory_space<vmem>>, vector<16xi32>,
    %gather3A_460 = tpu.vector_load_idx %arg8[%get3A_459] : memref<1000xf32, #tpu.memory_space<vmem>>[vector<16xi32>], vector<16xf32>,
    %swap3A_461 = arith.constant 912 : index
    %swap3A_462 = tpu.vector_load %arg10[%swap3A_461] {strides = array<i32>} : memref<1024xf32, #tpu.memory_space<vmem>>, vector<16xf32>,
    tpu.vector_store %arg10[%swap3A_461], %gather3A_460 {strides = array<i32>} : memref<1024xf32, #tpu.memory_space<vmem>>, vector<16xf32>,
    %gather3A_463 = tpu.vector_load_idx %arg9[%get3A_459] : memref<1000xf32, #tpu.memory_space<vmem>>[vector<16xi32>], vector<16xf32>,
    %swap3A_464 = arith.constant 912 : index
    %swap3A_465 = tpu.vector_load %arg11[%swap3A_464] {strides = array<i32>} : memref<1024xf32, #tpu.memory_space<vmem>>, vector<16xf32>,
    tpu.vector_store %arg11[%swap3A_464], %gather3A_463 {strides = array<i32>} : memref<1024xf32, #tpu.memory_space<vmem>>, vector<16xf32>,
    %get3A_466 = arith.constant 928 : index
    %get3A_467 = tpu.vector_load %arg7[%get3A_466] {strides = array<i32>} : memref<1024xi32, #tpu.memory_space<vmem>>, vector<16xi32>,
    %gather3A_468 = tpu.vector_load_idx %arg8[%get3A_467] : memref<1000xf32, #tpu.memory_space<vmem>>[vector<16xi32>], vector<16xf32>,
    %swap3A_469 = arith.constant 928 : index
    %swap3A_470 = tpu.vector_load %arg10[%swap3A_469] {strides = array<i32>} : memref<1024xf32, #tpu.memory_space<vmem>>, vector<16xf32>,
    tpu.vector_store %arg10[%swap3A_469], %gather3A_468 {strides = array<i32>} : memref<1024xf32, #tpu.memory_space<vmem>>, vector<16xf32>,
    %gather3A_471 = tpu.vector_load_idx %arg9[%get3A_467] : memref<1000xf32, #tpu.memory_space<vmem>>[vector<16xi32>], vector<16xf32>,
    %swap3A_472 = arith.constant 928 : index
    %swap3A_473 = tpu.vector_load %arg11[%swap3A_472] {strides = array<i32>} : memref<1024xf32, #tpu.memory_space<vmem>>, vector<16xf32>,
    tpu.vector_store %arg11[%swap3A_472], %gather3A_471 {strides = array<i32>} : memref<1024xf32, #tpu.memory_space<vmem>>, vector<16xf32>,
    %get3A_474 = arith.constant 944 : index
    %get3A_475 = tpu.vector_load %arg7[%get3A_474] {strides = array<i32>} : memref<1024xi32, #tpu.memory_space<vmem>>, vector<16xi32>,
    %gather3A_476 = tpu.vector_load_idx %arg8[%get3A_475] : memref<1000xf32, #tpu.memory_space<vmem>>[vector<16xi32>], vector<16xf32>,
    %swap3A_477 = arith.constant 944 : index
    %swap3A_478 = tpu.vector_load %arg10[%swap3A_477] {strides = array<i32>} : memref<1024xf32, #tpu.memory_space<vmem>>, vector<16xf32>,
    tpu.vector_store %arg10[%swap3A_477], %gather3A_476 {strides = array<i32>} : memref<1024xf32, #tpu.memory_space<vmem>>, vector<16xf32>,
    %gather3A_479 = tpu.vector_load_idx %arg9[%get3A_475] : memref<1000xf32, #tpu.memory_space<vmem>>[vector<16xi32>], vector<16xf32>,
    %swap3A_480 = arith.constant 944 : index
    %swap3A_481 = tpu.vector_load %arg11[%swap3A_480] {strides = array<i32>} : memref<1024xf32, #tpu.memory_space<vmem>>, vector<16xf32>,
    tpu.vector_store %arg11[%swap3A_480], %gather3A_479 {strides = array<i32>} : memref<1024xf32, #tpu.memory_space<vmem>>, vector<16xf32>,
    %get3A_482 = arith.constant 960 : index
    %get3A_483 = tpu.vector_load %arg7[%get3A_482] {strides = array<i32>} : memref<1024xi32, #tpu.memory_space<vmem>>, vector<16xi32>,
    %gather3A_484 = tpu.vector_load_idx %arg8[%get3A_483] : memref<1000xf32, #tpu.memory_space<vmem>>[vector<16xi32>], vector<16xf32>,
    %swap3A_485 = arith.constant 960 : index
    %swap3A_486 = tpu.vector_load %arg10[%swap3A_485] {strides = array<i32>} : memref<1024xf32, #tpu.memory_space<vmem>>, vector<16xf32>,
    tpu.vector_store %arg10[%swap3A_485], %gather3A_484 {strides = array<i32>} : memref<1024xf32, #tpu.memory_space<vmem>>, vector<16xf32>,
    %gather3A_487 = tpu.vector_load_idx %arg9[%get3A_483] : memref<1000xf32, #tpu.memory_space<vmem>>[vector<16xi32>], vector<16xf32>,
    %swap3A_488 = arith.constant 960 : index
    %swap3A_489 = tpu.vector_load %arg11[%swap3A_488] {strides = array<i32>} : memref<1024xf32, #tpu.memory_space<vmem>>, vector<16xf32>,
    tpu.vector_store %arg11[%swap3A_488], %gather3A_487 {strides = array<i32>} : memref<1024xf32, #tpu.memory_space<vmem>>, vector<16xf32>,
    %get3A_490 = arith.constant 976 : index
    %get3A_491 = tpu.vector_load %arg7[%get3A_490] {strides = array<i32>} : memref<1024xi32, #tpu.memory_space<vmem>>, vector<16xi32>,
    %gather3A_492 = tpu.vector_load_idx %arg8[%get3A_491] : memref<1000xf32, #tpu.memory_space<vmem>>[vector<16xi32>], vector<16xf32>,
    %swap3A_493 = arith.constant 976 : index
    %swap3A_494 = tpu.vector_load %arg10[%swap3A_493] {strides = array<i32>} : memref<1024xf32, #tpu.memory_space<vmem>>, vector<16xf32>,
    tpu.vector_store %arg10[%swap3A_493], %gather3A_492 {strides = array<i32>} : memref<1024xf32, #tpu.memory_space<vmem>>, vector<16xf32>,
    %gather3A_495 = tpu.vector_load_idx %arg9[%get3A_491] : memref<1000xf32, #tpu.memory_space<vmem>>[vector<16xi32>], vector<16xf32>,
    %swap3A_496 = arith.constant 976 : index
    %swap3A_497 = tpu.vector_load %arg11[%swap3A_496] {strides = array<i32>} : memref<1024xf32, #tpu.memory_space<vmem>>, vector<16xf32>,
    tpu.vector_store %arg11[%swap3A_496], %gather3A_495 {strides = array<i32>} : memref<1024xf32, #tpu.memory_space<vmem>>, vector<16xf32>,
    %get3A_498 = arith.constant 992 : index
    %get3A_499 = tpu.vector_load %arg7[%get3A_498] {strides = array<i32>} : memref<1024xi32, #tpu.memory_space<vmem>>, vector<16xi32>,
    %gather3A_500 = tpu.vector_load_idx %arg8[%get3A_499] : memref<1000xf32, #tpu.memory_space<vmem>>[vector<16xi32>], vector<16xf32>,
    %swap3A_501 = arith.constant 992 : index
    %swap3A_502 = tpu.vector_load %arg10[%swap3A_501] {strides = array<i32>} : memref<1024xf32, #tpu.memory_space<vmem>>, vector<16xf32>,
    tpu.vector_store %arg10[%swap3A_501], %gather3A_500 {strides = array<i32>} : memref<1024xf32, #tpu.memory_space<vmem>>, vector<16xf32>,
    %gather3A_503 = tpu.vector_load_idx %arg9[%get3A_499] : memref<1000xf32, #tpu.memory_space<vmem>>[vector<16xi32>], vector<16xf32>,
    %swap3A_504 = arith.constant 992 : index
    %swap3A_505 = tpu.vector_load %arg11[%swap3A_504] {strides = array<i32>} : memref<1024xf32, #tpu.memory_space<vmem>>, vector<16xf32>,
    tpu.vector_store %arg11[%swap3A_504], %gather3A_503 {strides = array<i32>} : memref<1024xf32, #tpu.memory_space<vmem>>, vector<16xf32>,
    %get3A_506 = arith.constant 1008 : index
    %get3A_507 = tpu.vector_load %arg7[%get3A_506] {strides = array<i32>} : memref<1024xi32, #tpu.memory_space<vmem>>, vector<16xi32>,
    %gather3A_508 = tpu.vector_load_idx %arg8[%get3A_507] : memref<1000xf32, #tpu.memory_space<vmem>>[vector<16xi32>], vector<16xf32>,
    %swap3A_509 = arith.constant 1008 : index
    %swap3A_510 = tpu.vector_load %arg10[%swap3A_509] {strides = array<i32>} : memref<1024xf32, #tpu.memory_space<vmem>>, vector<16xf32>,
    tpu.vector_store %arg10[%swap3A_509], %gather3A_508 {strides = array<i32>} : memref<1024xf32, #tpu.memory_space<vmem>>, vector<16xf32>,
    %gather3A_511 = tpu.vector_load_idx %arg9[%get3A_507] : memref<1000xf32, #tpu.memory_space<vmem>>[vector<16xi32>], vector<16xf32>,
    %swap3A_512 = arith.constant 1008 : index
    %swap3A_513 = tpu.vector_load %arg11[%swap3A_512] {strides = array<i32>} : memref<1024xf32, #tpu.memory_space<vmem>>, vector<16xf32>,
    tpu.vector_store %arg11[%swap3A_512], %gather3A_511 {strides = array<i32>} : memref<1024xf32, #tpu.memory_space<vmem>>, vector<16xf32>,
    %dma_start3A_514 = tpu.memref_slice %arg5[%mul3A_2] : memref<16384xf32, #tpu.memory_space<hbm>> -> memref<1024xf32, #tpu.memory_space<hbm>>
    %dma_start3A_515 = tpu.memref_slice %arg5[%mul3A_2] : memref<16384xf32, #tpu.memory_space<hbm>> -> memref<1024xf32, #tpu.memory_space<hbm>>
    tpu.enqueue_dma source(%arg10 : memref<1024xf32, #tpu.memory_space<vmem>>) target(%dma_start3A_515 : memref<1024xf32, #tpu.memory_space<hbm>>) target_semaphore(%arg12 : memref<!tpu.dma_semaphore, #tpu.memory_space<semaphore_mem>>)
    %dma_start3A_516 = tpu.memref_slice %arg6[%mul3A_2] : memref<16384xf32, #tpu.memory_space<hbm>> -> memref<1024xf32, #tpu.memory_space<hbm>>
    %dma_start3A_517 = tpu.memref_slice %arg6[%mul3A_2] : memref<16384xf32, #tpu.memory_space<hbm>> -> memref<1024xf32, #tpu.memory_space<hbm>>
    tpu.enqueue_dma source(%arg11 : memref<1024xf32, #tpu.memory_space<vmem>>) target(%dma_start3A_517 : memref<1024xf32, #tpu.memory_space<hbm>>) target_semaphore(%arg12 : memref<!tpu.dma_semaphore, #tpu.memory_space<semaphore_mem>>)
    %dma_wait3A_518 = tpu.memref_slice %arg5[%mul3A_2] : memref<16384xf32, #tpu.memory_space<hbm>> -> memref<1024xf32, #tpu.memory_space<hbm>>
    %dma_wait3A_519 = tpu.memref_slice %arg5[%mul3A_2] : memref<16384xf32, #tpu.memory_space<hbm>> -> memref<1024xf32, #tpu.memory_space<hbm>>
    tpu.wait_dma2 semaphore(%arg12 : memref<!tpu.dma_semaphore, #tpu.memory_space<semaphore_mem>>) src(%arg10 : memref<1024xf32, #tpu.memory_space<vmem>>) dst(%dma_wait3A_519 : memref<1024xf32, #tpu.memory_space<hbm>>)
    %dma_wait3A_520 = tpu.memref_slice %arg6[%mul3A_2] : memref<16384xf32, #tpu.memory_space<hbm>> -> memref<1024xf32, #tpu.memory_space<hbm>>
    %dma_wait3A_521 = tpu.memref_slice %arg6[%mul3A_2] : memref<16384xf32, #tpu.memory_space<hbm>> -> memref<1024xf32, #tpu.memory_space<hbm>>
    tpu.wait_dma2 semaphore(%arg12 : memref<!tpu.dma_semaphore, #tpu.memory_space<semaphore_mem>>) src(%arg11 : memref<1024xf32, #tpu.memory_space<vmem>>) dst(%dma_wait3A_521 : memref<1024xf32, #tpu.memory_space<hbm>>)
    return
  }
}

</mosaic_0001>

<sc_bundles>
// kernel: kernel.3.cloned.1.call-start
scs
__scs_entry_jumppad:
0x0: {  	(pc) =	sbr.rel $0x88, $3  }
0x1: {  	(tag) =	ssettag $0x0;
	lr =	simm.s32 $0x1  }
0x2: {  	[smem:$0x3F9E] =	sst lr;
	_ =	strace $0xD0000000  }
0x3: {  	_ = 	snop  }
0x4: {  	_ = 	snop  }
0x5: {  	_ = 	snop  }
0x6: {  	_ = 	snop  }
0x7: {  	_ = 	snop  }
__scs_overlays_trampoline_lowered:
0x8: {  	[smem:$0x3FAD] =	sst s0  }
0x9: {  	[smem:$0x3FAE] =	sst s1  }
0xa: {  	[smem:$0x3FAF] =	sst s2  }
0xb: {  	[smem:$0x3FB0] =	sst s3  }
0xc: {  	[smem:$0x3FB1] =	sst s4  }
0xd: {  	[smem:$0x3FB2] =	sst s5  }
0xe: {  	[smem:$0x3FB3] =	sst s6  }
0xf: {  	[smem:$0x3FB4] =	sst s7  }
0x10: {  	[smem:$0x3FB5] =	sst s8  }
0x11: {  	[smem:$0x3FB6] =	sst s9;
	s0 =	simm.s32 @!p0 $0x0  }
0x12: {  	s1 =	sld [smem:$0x3F9C];
	s0 =	simm.s32 @p0 $0x1  }
0x13: {  	[smem:$0x3FB7] =	sst s0;
	s0 =	simm.s32 @!p1 $0x0  }
0x14: {  	s2 =	sld [smem:$0x3F9B];
	s0 =	simm.s32 @p1 $0x1  }
0x15: {  	[smem:$0x3FB8] =	sst s0;
	s0 =	simm.s32 @!p2 $0x0  }
0x16: {  	s3 =	sld [smem:$0x3FDB];
	s0 =	simm.s32 @p2 $0x1  }
0x17: {  	s4 =	simm.s32 $0x1BF5;
	[smem:$0x3FBA] =	sst s0  }
0x18: {  	s0 =	sld [smem:$0x3F9D];
	_ =	swait.ge [sflag:s4], $0x0  }
0x19: {  	s7 =	sld [smem:$0x3F9E]  }
0x1a: {  	s8 =	sadd.s32 $0xFFFFE003, lr  }
0x1b: {  	s9 =	sadd.s32 $0xFFFFFEF7, lr;
	s5 =	simm.s32 $0xFFFFFFFF;
	p2 =	slt.u32 s8, $0xFFFFF086  }
0x1c: {  	p1 =	slt.u32 s9, $0xF7A;
	s5 =	simm.s32 @!p2 $0x0  }
0x1d: {  	s5 =	simm.s32 @p1 $0x1;
	p0 =	seq.s32 s7, s2  }
0x1e: {  	s7 =	smul.u32 @!p0 $0xF7A, s2;
	p2 =	seq.s32 @!p0 s5, $0x0  }
0x1f: {  	s9 =	smul.u32 $0xF7A, s1;
	s8 =	simm.s32 @!p0 $0x1BF5;
	p2 =	por !p2, p0  }
0x20: {  	[sflag:s8] =	ssyncset.s32 @!p0 $0xFFFFF086;
	s6 =	sadd.s32 @!p0 s3, s7;
	s7 =	simm.s32 @!p0 $0x108  }
0x21: {  	s3 =	sadd.s32 s3, s9;
	s6 =	sadd.s32 @!p0 $0x88, s6;
	s7 =	simm.s32 @p2 $0x1082  }
0x22: {  	[simem:s7], [sflag:s8] =	dma.local @!p0 [hbm:s6], $0xF7A  }
0x23: {  	s9 =	sor.u32 $0xD0000000, s2;
	s6 =	simm.s32 $0x108;
	_ =	swait.ge @!p0 [sflag:s8], $0x0  }
0x24: {  	s3 =	sadd.s32 $0x88, s3;
	s6 =	simm.s32 @!p1 $0x1082;
	[sflag:s4] =	ssyncset.s32 $0xFFFFF086  }
0x25: {  	[simem:s6], [sflag:s4] =	dma.local [hbm:s3], $0xF7A  }
0x26: {  	[smem:$0x3F9E] =	sst s1;
	(tag) =	ssettag s2;
	_ =	strace s9  }
0x27: {  	s1 =	sld [smem:$0x3FAE]  }
0x28: {  	s2 =	sld [smem:$0x3FAF]  }
0x29: {  	s4 =	sld [smem:$0x3FB1]  }
0x2a: {  	p0 =	seq.s32 s5, $0x0;
	s5 =	sld [smem:$0x3FB2]  }
0x2b: {  	s6 =	sld [smem:$0x3FB3]  }
0x2c: {  	s7 =	sld [smem:$0x3FB4]  }
0x2d: {  	s3 =	simm.s32 $0x108;
	s8 =	sld [smem:$0x3FB5]  }
0x2e: {  	s3 =	simm.s32 @!p0 $0x1082;
	s9 =	sld [smem:$0x3FB6]  }
0x2f: {  	lr =	sadd.s32 s0, s3;
	s0 =	sld [smem:$0x3FAD]  }
0x30: {  	s3 =	sld [smem:$0x3FB0]  }
0x31: {  	[smem:$0x3FB9] =	sst s10  }
0x32: {  	s10 =	sld [smem:$0x3FB7];
	_ =	sdelay $0x3  }
0x33: {  	p0 =	seq.s32 s10, $0x1;
	s10 =	sld [smem:$0x3FB9];
	_ =	sdelay $0x3  }
0x34: {  	[smem:$0x3FB9] =	sst s10  }
0x35: {  	s10 =	sld [smem:$0x3FB8];
	_ =	sdelay $0x3  }
0x36: {  	p1 =	seq.s32 s10, $0x1;
	s10 =	sld [smem:$0x3FB9];
	_ =	sdelay $0x3  }
0x37: {  	[smem:$0x3FB9] =	sst s10  }
0x38: {  	s10 =	sld [smem:$0x3FBA]  }
0x39: {  	_ = 	snop;
	(pc) =	sbr.ind lr, $3  }
0x3a: {  	_ = 	snop  }
0x3b: {  	_ = 	snop  }
0x3c: {  	p2 =	seq.s32 s10, $0x1;
	s10 =	sld [smem:$0x3FB9]  }
0x3d: {  	_ =	shalt  }
0x3e: {  	_ =	shalt  }
0x3f: {  	_ =	shalt  }
0x40: {  	_ =	shalt  }
0x41: {  	_ =	shalt  }
0x42: {  	_ =	shalt  }
0x43: {  	_ =	shalt  }
0x44: {  	_ =	shalt  }
0x45: {  	_ =	shalt  }
0x46: {  	_ =	shalt  }
0x47: {  	_ =	shalt  }
0x48: {  	_ =	shalt  }
0x49: {  	_ =	shalt  }
0x4a: {  	_ =	shalt  }
0x4b: {  	_ =	shalt  }
0x4c: {  	_ =	shalt  }
0x4d: {  	_ =	shalt  }
0x4e: {  	_ =	shalt  }
0x4f: {  	_ =	shalt  }
0x50: {  	_ =	shalt  }
0x51: {  	_ =	shalt  }
0x52: {  	_ =	shalt  }
0x53: {  	_ =	shalt  }
0x54: {  	_ =	shalt  }
0x55: {  	_ =	shalt  }
0x56: {  	_ =	shalt  }
0x57: {  	_ =	shalt  }
0x58: {  	_ =	shalt  }
0x59: {  	_ =	shalt  }
0x5a: {  	_ =	shalt  }
0x5b: {  	_ =	shalt  }
0x5c: {  	_ =	shalt  }
0x5d: {  	_ =	shalt  }
0x5e: {  	_ =	shalt  }
0x5f: {  	_ =	shalt  }
0x60: {  	_ =	shalt  }
0x61: {  	_ =	shalt  }
0x62: {  	_ =	shalt  }
0x63: {  	_ =	shalt  }
0x64: {  	_ =	shalt  }
0x65: {  	_ =	shalt  }
0x66: {  	_ =	shalt  }
0x67: {  	_ =	shalt  }
0x68: {  	_ =	shalt  }
0x69: {  	_ =	shalt  }
0x6a: {  	_ =	shalt  }
0x6b: {  	_ =	shalt  }
0x6c: {  	_ =	shalt  }
0x6d: {  	_ =	shalt  }
0x6e: {  	_ =	shalt  }
0x6f: {  	_ =	shalt  }
0x70: {  	_ =	shalt  }
0x71: {  	_ =	shalt  }
0x72: {  	_ =	shalt  }
0x73: {  	_ =	shalt  }
0x74: {  	_ =	shalt  }
0x75: {  	_ =	shalt  }
0x76: {  	_ =	shalt  }
0x77: {  	_ =	shalt  }
0x78: {  	_ =	shalt  }
0x79: {  	_ =	shalt  }
0x7a: {  	_ =	shalt  }
0x7b: {  	_ =	shalt  }
0x7c: {  	_ =	shalt  }
0x7d: {  	_ =	shalt  }
0x7e: {  	_ =	shalt  }
0x7f: {  	_ =	shalt  }
0x80: {  	_ =	shalt  }
0x81: {  	_ =	shalt  }
0x82: {  	_ =	shalt  }
0x83: {  	_ =	shalt  }
0x84: {  	_ =	shalt  }
0x85: {  	_ =	shalt  }
0x86: {  	_ =	shalt  }
0x87: {  	_ =	shalt  }
.Lfunc_end0:
.L_simem_size_0:
called_computation_lowered:
.L_overlay_start_0:
0x88: {  	s0 =	sld [smem:$0x3FD9]  }
0x89: {  	s1 =	sld [smem:$0x3FFE];
	_ =	sdelay $0x3  }
0x8a: {  	s0 =	sadd.s32 s1, s0  }
0x8b: {  	[smem:$0x3FC5] =	sst s0  }
0x8c: {  	_ = 	snop  }
0x8d: {  	s0 =	sld [smem:$0x3FD0]  }
0x8e: {  	s14 =	sld [smem:$0x3FC9]  }
0x8f: {  	s2 =	sld [smem:$0x3FC8]  }
0x90: {  	s4 =	simm.s32 $0xA;
	s5 =	simm.s32 $0x10;
	s3 =	sld [smem:$0x3FC7]  }
0x91: {  	[smem:s5], [sflag:s4] =	dma.local [hbm:s0], $0x1  }
0x92: {  	_ =	swait.eq [sflag:s4], $0x1  }
0x93: {  	[sflag:s4] =	ssyncset.done $0x0  }
0x94: {  	s15 =	sld [smem:$0x10];
	[sflag:s4] =	ssyncadd.s32 $0xFFFFFFFF  }
0x95: {  	s16 =	sld [smem:$0x11];
	(tm) =	ssettm $0x1  }
0x96: {  	s17 =	sld [smem:$0x3FFB];
	_ =	sdelay $0x3  }
0x97: {  	_ =	strace s17  }
0x98: {  	s5 =	sld [smem:$0x3FFC];
	_ =	sdelay $0x3  }
0x99: {  	_ =	strace s5  }
0x9a: {  	s5 =	sld [smem:$0x3FFD];
	_ =	sdelay $0x3  }
0x9b: {  	_ =	strace s5  }
0x9c: {  	_ =	strace $0x8FFFFFFF  }
0x9d: {  	s18 =	sld [smem:$0x3FDB];
	_ =	sdelay $0x1  }
0x9e: {  	s6 =	simm.s32 $_scs_section_size  }
0x9f: {  	s7 =	simm.s32 $_size__tile_overlayer_lowered;
	s8 =	simm.s32 $_tile_overlayer_lowered  }
0xa0: {  	s21 =	simm.s32 $0x1BFF;
	s20 =	sshll.u32 s8, $0x1;
	s5 =	sadd.s32 s6, s18  }
0xa1: {  	s9 =	simm.s32 $0x0;
	s19 =	sshll.u32 s7, $0x1;
	s7 =	sadd.s32 s20, s5  }
0xa2: {  	[timem:s9], [sflag:s21] =	dma.local [hbm:s7], s19  }
0xa3: {  	_ =	swait.ge [sflag:s21], s19  }
0xa4: {  	s6 =	ssub.s32 $0x0, s19;
	[sflag:s21] =	ssyncset.done $0x0  }
0xa5: {  	[sflag:s21] =	ssyncadd.s32 s6;
	_ =	sdelay $0x1  }
0xa6: {  	s22 =	simm.s32 $0x1B8B  }
0xa7: {  	_ =	swait.ge [sflag:s22], $0x1  }
0xa8: {  	[sflag:s22] =	ssyncset.done $0x0  }
0xa9: {  	s23 =	simm.s32 $0x1B8E;
	[sflag:s22] =	ssyncadd.s32 $0xFFFFFFFF  }
0xaa: {  	s24 =	simm.s32 $execute0_lowered;
	[smem:$0x3FD2] =	sst s23  }
0xab: {  	s6 =	sshll.u32 s24, $0x1;
	_ =	strace $0x80000046;
	[dreg:$0x1] =	wrdreg $0xFFFFFFFF  }
0xac: {  	s25 =	simm.s32 $_size_execute0_lowered;
	s5 =	sadd.s32 s5, s6;
	[dreg:$0x0] =	wrdreg $0x0  }
0xad: {  	s6 =	sshll.u32 s25, $0x1;
	[dreg:$0x2] =	wrdreg s5  }
0xae: {  	[dreg:$0x3] =	wrdreg s6  }
0xaf: {  	[dreg:$0x4] =	wrdreg $0xC0  }
0xb0: {  	_ =	task [dreg:s9], $0x5FFFF  }
0xb1: {  	[dreg:$0x1] =	wrdreg $0xFFFFFFFF  }
0xb2: {  	[dreg:$0x0] =	wrdreg $0x60  }
0xb3: {  	[dreg:$0x2] =	wrdreg s14  }
0xb4: {  	[dreg:$0x3] =	wrdreg s2  }
0xb5: {  	[dreg:$0x4] =	wrdreg s3  }
0xb6: {  	[dreg:$0x5] =	wrdreg s15  }
0xb7: {  	[dreg:$0x6] =	wrdreg s16  }
0xb8: {  	[dreg:$0x7] =	wrdreg $0x9  }
0xb9: {  	_ =	task.clear_ibuf [dreg:s9], $0x8FFFF;
	_ =	strace $0x90000046  }
0xba: {  	s26 =	simm.s32 $0x9;
	_ =	strace $0x80000048  }
0xbb: {  	_ =	swait.ge [sflag:s26], $0x1  }
0xbc: {  	[sflag:s26] =	ssyncadd.s32 $0xFFFFFFFF  }
0xbd: {  	_ =	strace $0x90000048  }
0xbe: {  	_ =	sfence  }
0xbf: {  	s28 =	sld [smem:$0x0];
	_ =	sdelay $0x1  }
0xc0: {  	s29 =	srdreg.scid  }
0xc1: {  	s30 =	sshll.u32 s29, $0xD;
	s31 =	sshrl.u32 s29, $0x2  }
0xc2: {  	s1 =	sand.u32 $0x1, s29;
	s2 =	sand.u32 $0x4000, s30;
	s0 =	sadd.s32 s31, s28  }
0xc3: {  	s1 =	sor.u32 s2, s1;
	s0 =	sshll.u32 s0, $0x11  }
0xc4: {  	s0 =	sor.u32 s0, s1  }
0xc5: {  	s0 =	sadd.s32 $0x8F2B, s0  }
0xc6: {  	[sflag:s0] =	ssyncadd.remote.s32 $0x1  }
0xc7: {  	_ =	sfence.sel $0xFFFF  }
0xc8: {  	[dreg:$0x0] =	wrdreg $0xFFFFFFFF;
	(pc) =	sbr.abs _section_cstart, $3  }
0xc9: {  	[dreg:$0x1] =	wrdreg $0xFFFFFFFF  }
0xca: {  	_ =	task.clear_ibuf [dreg:s9], $0x2FFFF;
	_ =	strace $0x9FFFFFFF  }
0xcb: {  	(tm) =	ssettm $0x7FFFFFFF  }
tec
execute0_lowered:
.L_overlay_start_1:
0x0: {  	(tag) =	ssettag $0x1  }
0x1: {  	s6 =	rddreg [dreg:$0x0]  }
0x2: {  	s8 =	rddreg [dreg:$0x1]  }
0x3: {  	s9 =	rddreg [dreg:$0x2]  }
0x4: {  	s4 =	rddreg [dreg:$0x3]  }
0x5: {  	s2 =	rddreg [dreg:$0x4];
	s3 =	simm.s32 $0x0;
	s1 =	stileid.u32  }
0x6: {  	[smem:$0x7FF] =	sst s3;
	s5 =	sshll.u32 s1, $0x7  }
0x7: {  	s0 =	rddreg [dreg:$0x5];
	_ =	strace $0x80000047;
	s6 =	sadd.s32 s6, s5  }
0x8: {  	[tilespmem:s3], [sflag:$0x1] =	stream.linear.gather [hbm4b:s6+s3], $0x400, $0x38;
	[tilespmem:$0x1400] =	vst v63  }
0x9: {  	s7 =	simm.s32 $0x400  }
0xa: {  	[tilespmem:s7], [sflag:$0x1] =	stream.linear.gather [hbm4b:s8+s3], $0x400, $0x38;
	[tilespmem:$0x1400] =	vst v63  }
0xb: {  	s28 =	simm.s32 $0x800;
	s29 =	simm.s32 $0x1  }
0xc: {  	[tilespmem:s28], [sflag:$0x1] =	stream.linear.gather [hbm4b:s9+s3], $0x400, $0x38;
	[tilespmem:$0x1400] =	vst v63  }
0xd: {  	_ =	swait.ge [sflag:s29], $0x400  }
0xe: {  	[sflag:s29] =	ssyncset.done $0x0  }
0xf: {  	[sflag:s29] =	ssyncadd.s32 $0xFFFFFC00  }
0x10: {  	_ =	swait.ge [sflag:s29], $0x400  }
0x11: {  	[sflag:s29] =	ssyncset.done $0x0  }
0x12: {  	[sflag:s29] =	ssyncadd.s32 $0xFFFFFC00  }
0x13: {  	_ =	swait.ge [sflag:s29], $0x400  }
0x14: {  	[sflag:s29] =	ssyncset.done $0x0  }
0x15: {  	[sflag:s29] =	ssyncadd.s32 $0xFFFFFC00  }
0x16: {  	v0 =	vld [tilespmem:$0x0];
	_ =	sdelay $0x7  }
0x17: {  	v1 =	vld.idx.msk [tilespmem:v0+s7+$0x0], $0xffff;
	_ =	sdelay $0x3  }
0x18: {  	v2 =	vld [tilespmem:$0x10]  }
0x19: {  	[tilespmem:$0xC00] =	vst v1  }
0x1a: {  	v0 =	vld.idx.msk [tilespmem:v0+s28+$0x0], $0xffff;
	_ =	sdelay $0x4  }
0x1b: {  	[tilespmem:$0x1000] =	vst v0  }
0x1c: {  	v0 =	vld.idx.msk [tilespmem:v2+s7+$0x0], $0xffff;
	_ =	sdelay $0x3  }
0x1d: {  	v62 =	vld [tilespmem:$0x20]  }
0x1e: {  	[tilespmem:$0xC10] =	vst v0  }
0x1f: {  	v0 =	vld.idx.msk [tilespmem:v2+s28+$0x0], $0xffff;
	_ =	sdelay $0x4  }
0x20: {  	[tilespmem:$0x1010] =	vst v0  }
0x21: {  	v0 =	vld.idx.msk [tilespmem:v62+s7+$0x0], $0xffff;
	_ =	sdelay $0x3  }
0x22: {  	v63 =	vld [tilespmem:$0x30]  }
0x23: {  	[tilespmem:$0xC20] =	vst v0  }
0x24: {  	v0 =	vld.idx.msk [tilespmem:v62+s28+$0x0], $0xffff;
	_ =	sdelay $0x4  }
0x25: {  	[tilespmem:$0x1020] =	vst v0  }
0x26: {  	v0 =	vld.idx.msk [tilespmem:v63+s7+$0x0], $0xffff;
	_ =	sdelay $0x3  }
0x27: {  	v4 =	vld [tilespmem:$0x40]  }
0x28: {  	[tilespmem:$0xC30] =	vst v0  }
0x29: {  	v0 =	vld.idx.msk [tilespmem:v63+s28+$0x0], $0xffff;
	_ =	sdelay $0x4  }
0x2a: {  	[tilespmem:$0x1030] =	vst v0  }
0x2b: {  	v0 =	vld.idx.msk [tilespmem:v4+s7+$0x0], $0xffff;
	_ =	sdelay $0x3  }
0x2c: {  	v5 =	vld [tilespmem:$0x50]  }
0x2d: {  	[tilespmem:$0xC40] =	vst v0  }
0x2e: {  	v0 =	vld.idx.msk [tilespmem:v4+s28+$0x0], $0xffff;
	_ =	sdelay $0x4  }
0x2f: {  	[tilespmem:$0x1040] =	vst v0  }
0x30: {  	v0 =	vld.idx.msk [tilespmem:v5+s7+$0x0], $0xffff;
	_ =	sdelay $0x3  }
0x31: {  	v6 =	vld [tilespmem:$0x60]  }
0x32: {  	[tilespmem:$0xC50] =	vst v0  }
0x33: {  	v0 =	vld.idx.msk [tilespmem:v5+s28+$0x0], $0xffff;
	_ =	sdelay $0x4  }
0x34: {  	[tilespmem:$0x1050] =	vst v0  }
0x35: {  	v0 =	vld.idx.msk [tilespmem:v6+s7+$0x0], $0xffff;
	_ =	sdelay $0x3  }
0x36: {  	v7 =	vld [tilespmem:$0x70]  }
0x37: {  	[tilespmem:$0xC60] =	vst v0  }
0x38: {  	v0 =	vld.idx.msk [tilespmem:v6+s28+$0x0], $0xffff;
	_ =	sdelay $0x4  }
0x39: {  	[tilespmem:$0x1060] =	vst v0  }
0x3a: {  	v0 =	vld.idx.msk [tilespmem:v7+s7+$0x0], $0xffff;
	_ =	sdelay $0x3  }
0x3b: {  	v8 =	vld [tilespmem:$0x80]  }
0x3c: {  	[tilespmem:$0xC70] =	vst v0  }
0x3d: {  	v0 =	vld.idx.msk [tilespmem:v7+s28+$0x0], $0xffff;
	_ =	sdelay $0x4  }
0x3e: {  	[tilespmem:$0x1070] =	vst v0  }
0x3f: {  	v0 =	vld.idx.msk [tilespmem:v8+s7+$0x0], $0xffff;
	_ =	sdelay $0x3  }
0x40: {  	v9 =	vld [tilespmem:$0x90]  }
0x41: {  	[tilespmem:$0xC80] =	vst v0  }
0x42: {  	v0 =	vld.idx.msk [tilespmem:v8+s28+$0x0], $0xffff;
	_ =	sdelay $0x4  }
0x43: {  	[tilespmem:$0x1080] =	vst v0  }
0x44: {  	v0 =	vld.idx.msk [tilespmem:v9+s7+$0x0], $0xffff;
	_ =	sdelay $0x3  }
0x45: {  	v10 =	vld [tilespmem:$0xA0]  }
0x46: {  	[tilespmem:$0xC90] =	vst v0  }
0x47: {  	v0 =	vld.idx.msk [tilespmem:v9+s28+$0x0], $0xffff;
	_ =	sdelay $0x4  }
0x48: {  	[tilespmem:$0x1090] =	vst v0  }
0x49: {  	v0 =	vld.idx.msk [tilespmem:v10+s7+$0x0], $0xffff;
	_ =	sdelay $0x3  }
0x4a: {  	v11 =	vld [tilespmem:$0xB0]  }
0x4b: {  	[tilespmem:$0xCA0] =	vst v0  }
0x4c: {  	v0 =	vld.idx.msk [tilespmem:v10+s28+$0x0], $0xffff;
	_ =	sdelay $0x4  }
0x4d: {  	[tilespmem:$0x10A0] =	vst v0  }
0x4e: {  	v0 =	vld.idx.msk [tilespmem:v11+s7+$0x0], $0xffff;
	_ =	sdelay $0x3  }
0x4f: {  	v12 =	vld [tilespmem:$0xC0]  }
0x50: {  	[tilespmem:$0xCB0] =	vst v0  }
0x51: {  	v0 =	vld.idx.msk [tilespmem:v11+s28+$0x0], $0xffff;
	_ =	sdelay $0x4  }
0x52: {  	[tilespmem:$0x10B0] =	vst v0  }
0x53: {  	v0 =	vld.idx.msk [tilespmem:v12+s7+$0x0], $0xffff;
	_ =	sdelay $0x3  }
0x54: {  	v13 =	vld [tilespmem:$0xD0]  }
0x55: {  	[tilespmem:$0xCC0] =	vst v0  }
0x56: {  	v0 =	vld.idx.msk [tilespmem:v12+s28+$0x0], $0xffff;
	_ =	sdelay $0x4  }
0x57: {  	[tilespmem:$0x10C0] =	vst v0  }
0x58: {  	v0 =	vld.idx.msk [tilespmem:v13+s7+$0x0], $0xffff;
	_ =	sdelay $0x3  }
0x59: {  	v14 =	vld [tilespmem:$0xE0]  }
0x5a: {  	[tilespmem:$0xCD0] =	vst v0  }
0x5b: {  	v0 =	vld.idx.msk [tilespmem:v13+s28+$0x0], $0xffff;
	_ =	sdelay $0x4  }
0x5c: {  	[tilespmem:$0x10D0] =	vst v0  }
0x5d: {  	v0 =	vld.idx.msk [tilespmem:v14+s7+$0x0], $0xffff;
	_ =	sdelay $0x3  }
0x5e: {  	v15 =	vld [tilespmem:$0xF0]  }
0x5f: {  	[tilespmem:$0xCE0] =	vst v0  }
0x60: {  	v0 =	vld.idx.msk [tilespmem:v14+s28+$0x0], $0xffff;
	_ =	sdelay $0x4  }
0x61: {  	[tilespmem:$0x10E0] =	vst v0  }
0x62: {  	v0 =	vld.idx.msk [tilespmem:v15+s7+$0x0], $0xffff;
	_ =	sdelay $0x3  }
0x63: {  	v16 =	vld [tilespmem:$0x100]  }
0x64: {  	[tilespmem:$0xCF0] =	vst v0  }
0x65: {  	v0 =	vld.idx.msk [tilespmem:v15+s28+$0x0], $0xffff;
	_ =	sdelay $0x4  }
0x66: {  	[tilespmem:$0x10F0] =	vst v0  }
0x67: {  	v0 =	vld.idx.msk [tilespmem:v16+s7+$0x0], $0xffff;
	_ =	sdelay $0x3  }
0x68: {  	v17 =	vld [tilespmem:$0x110]  }
0x69: {  	[tilespmem:$0xD00] =	vst v0  }
0x6a: {  	v0 =	vld.idx.msk [tilespmem:v16+s28+$0x0], $0xffff;
	_ =	sdelay $0x4  }
0x6b: {  	[tilespmem:$0x1100] =	vst v0  }
0x6c: {  	v0 =	vld.idx.msk [tilespmem:v17+s7+$0x0], $0xffff;
	_ =	sdelay $0x3  }
0x6d: {  	v18 =	vld [tilespmem:$0x120]  }
0x6e: {  	[tilespmem:$0xD10] =	vst v0  }
0x6f: {  	v0 =	vld.idx.msk [tilespmem:v17+s28+$0x0], $0xffff;
	_ =	sdelay $0x4  }
0x70: {  	[tilespmem:$0x1110] =	vst v0  }
0x71: {  	v0 =	vld.idx.msk [tilespmem:v18+s7+$0x0], $0xffff;
	_ =	sdelay $0x3  }
0x72: {  	v19 =	vld [tilespmem:$0x130]  }
0x73: {  	[tilespmem:$0xD20] =	vst v0  }
0x74: {  	v0 =	vld.idx.msk [tilespmem:v18+s28+$0x0], $0xffff;
	_ =	sdelay $0x4  }
0x75: {  	[tilespmem:$0x1120] =	vst v0  }
0x76: {  	v0 =	vld.idx.msk [tilespmem:v19+s7+$0x0], $0xffff;
	_ =	sdelay $0x3  }
0x77: {  	v20 =	vld [tilespmem:$0x140]  }
0x78: {  	[tilespmem:$0xD30] =	vst v0  }
0x79: {  	v0 =	vld.idx.msk [tilespmem:v19+s28+$0x0], $0xffff;
	_ =	sdelay $0x4  }
0x7a: {  	[tilespmem:$0x1130] =	vst v0  }
0x7b: {  	v0 =	vld.idx.msk [tilespmem:v20+s7+$0x0], $0xffff;
	_ =	sdelay $0x3  }
0x7c: {  	v21 =	vld [tilespmem:$0x150]  }
0x7d: {  	[tilespmem:$0xD40] =	vst v0  }
0x7e: {  	v0 =	vld.idx.msk [tilespmem:v20+s28+$0x0], $0xffff;
	_ =	sdelay $0x4  }
0x7f: {  	[tilespmem:$0x1140] =	vst v0  }
0x80: {  	v0 =	vld.idx.msk [tilespmem:v21+s7+$0x0], $0xffff;
	_ =	sdelay $0x3  }
0x81: {  	v22 =	vld [tilespmem:$0x160]  }
0x82: {  	[tilespmem:$0xD50] =	vst v0  }
0x83: {  	v0 =	vld.idx.msk [tilespmem:v21+s28+$0x0], $0xffff;
	_ =	sdelay $0x4  }
0x84: {  	[tilespmem:$0x1150] =	vst v0  }
0x85: {  	v0 =	vld.idx.msk [tilespmem:v22+s7+$0x0], $0xffff;
	_ =	sdelay $0x3  }
0x86: {  	v23 =	vld [tilespmem:$0x170]  }
0x87: {  	[tilespmem:$0xD60] =	vst v0  }
0x88: {  	v0 =	vld.idx.msk [tilespmem:v22+s28+$0x0], $0xffff;
	_ =	sdelay $0x4  }
0x89: {  	[tilespmem:$0x1160] =	vst v0  }
0x8a: {  	v0 =	vld.idx.msk [tilespmem:v23+s7+$0x0], $0xffff;
	_ =	sdelay $0x3  }
0x8b: {  	v24 =	vld [tilespmem:$0x180]  }
0x8c: {  	[tilespmem:$0xD70] =	vst v0  }
0x8d: {  	v0 =	vld.idx.msk [tilespmem:v23+s28+$0x0], $0xffff;
	_ =	sdelay $0x4  }
0x8e: {  	[tilespmem:$0x1170] =	vst v0  }
0x8f: {  	v0 =	vld.idx.msk [tilespmem:v24+s7+$0x0], $0xffff;
	_ =	sdelay $0x3  }
0x90: {  	v25 =	vld [tilespmem:$0x190]  }
0x91: {  	[tilespmem:$0xD80] =	vst v0  }
0x92: {  	v0 =	vld.idx.msk [tilespmem:v24+s28+$0x0], $0xffff;
	_ =	sdelay $0x4  }
0x93: {  	[tilespmem:$0x1180] =	vst v0  }
0x94: {  	v0 =	vld.idx.msk [tilespmem:v25+s7+$0x0], $0xffff;
	_ =	sdelay $0x3  }
0x95: {  	v26 =	vld [tilespmem:$0x1A0]  }
0x96: {  	[tilespmem:$0xD90] =	vst v0  }
0x97: {  	v0 =	vld.idx.msk [tilespmem:v25+s28+$0x0], $0xffff;
	_ =	sdelay $0x4  }
0x98: {  	[tilespmem:$0x1190] =	vst v0  }
0x99: {  	v0 =	vld.idx.msk [tilespmem:v26+s7+$0x0], $0xffff;
	_ =	sdelay $0x3  }
0x9a: {  	v27 =	vld [tilespmem:$0x1B0]  }
0x9b: {  	[tilespmem:$0xDA0] =	vst v0  }
0x9c: {  	v0 =	vld.idx.msk [tilespmem:v26+s28+$0x0], $0xffff;
	_ =	sdelay $0x4  }
0x9d: {  	[tilespmem:$0x11A0] =	vst v0  }
0x9e: {  	v0 =	vld.idx.msk [tilespmem:v27+s7+$0x0], $0xffff;
	_ =	sdelay $0x3  }
0x9f: {  	v28 =	vld [tilespmem:$0x1C0]  }
0xa0: {  	[tilespmem:$0xDB0] =	vst v0  }
0xa1: {  	v0 =	vld.idx.msk [tilespmem:v27+s28+$0x0], $0xffff;
	_ =	sdelay $0x4  }
0xa2: {  	[tilespmem:$0x11B0] =	vst v0  }
0xa3: {  	v0 =	vld.idx.msk [tilespmem:v28+s7+$0x0], $0xffff;
	_ =	sdelay $0x3  }
0xa4: {  	v29 =	vld [tilespmem:$0x1D0]  }
0xa5: {  	[tilespmem:$0xDC0] =	vst v0  }
0xa6: {  	v0 =	vld.idx.msk [tilespmem:v28+s28+$0x0], $0xffff;
	_ =	sdelay $0x4  }
0xa7: {  	[tilespmem:$0x11C0] =	vst v0  }
0xa8: {  	v0 =	vld.idx.msk [tilespmem:v29+s7+$0x0], $0xffff;
	_ =	sdelay $0x3  }
0xa9: {  	v30 =	vld [tilespmem:$0x1E0]  }
0xaa: {  	[tilespmem:$0xDD0] =	vst v0  }
0xab: {  	v0 =	vld.idx.msk [tilespmem:v29+s28+$0x0], $0xffff;
	_ =	sdelay $0x4  }
0xac: {  	[tilespmem:$0x11D0] =	vst v0  }
0xad: {  	v0 =	vld.idx.msk [tilespmem:v30+s7+$0x0], $0xffff;
	_ =	sdelay $0x3  }
0xae: {  	v31 =	vld [tilespmem:$0x1F0]  }
0xaf: {  	[tilespmem:$0xDE0] =	vst v0  }
0xb0: {  	v0 =	vld.idx.msk [tilespmem:v30+s28+$0x0], $0xffff;
	_ =	sdelay $0x4  }
0xb1: {  	[tilespmem:$0x11E0] =	vst v0  }
0xb2: {  	v0 =	vld.idx.msk [tilespmem:v31+s7+$0x0], $0xffff;
	_ =	sdelay $0x3  }
0xb3: {  	v32 =	vld [tilespmem:$0x200]  }
0xb4: {  	[tilespmem:$0xDF0] =	vst v0  }
0xb5: {  	v0 =	vld.idx.msk [tilespmem:v31+s28+$0x0], $0xffff;
	_ =	sdelay $0x4  }
0xb6: {  	[tilespmem:$0x11F0] =	vst v0  }
0xb7: {  	v0 =	vld.idx.msk [tilespmem:v32+s7+$0x0], $0xffff;
	_ =	sdelay $0x3  }
0xb8: {  	v33 =	vld [tilespmem:$0x210]  }
0xb9: {  	[tilespmem:$0xE00] =	vst v0  }
0xba: {  	v0 =	vld.idx.msk [tilespmem:v32+s28+$0x0], $0xffff;
	_ =	sdelay $0x4  }
0xbb: {  	[tilespmem:$0x1200] =	vst v0  }
0xbc: {  	v0 =	vld.idx.msk [tilespmem:v33+s7+$0x0], $0xffff;
	_ =	sdelay $0x3  }
0xbd: {  	v34 =	vld [tilespmem:$0x220]  }
0xbe: {  	[tilespmem:$0xE10] =	vst v0  }
0xbf: {  	v0 =	vld.idx.msk [tilespmem:v33+s28+$0x0], $0xffff;
	_ =	sdelay $0x4  }
0xc0: {  	[tilespmem:$0x1210] =	vst v0  }
0xc1: {  	v0 =	vld.idx.msk [tilespmem:v34+s7+$0x0], $0xffff;
	_ =	sdelay $0x3  }
0xc2: {  	v35 =	vld [tilespmem:$0x230]  }
0xc3: {  	[tilespmem:$0xE20] =	vst v0  }
0xc4: {  	v0 =	vld.idx.msk [tilespmem:v34+s28+$0x0], $0xffff;
	_ =	sdelay $0x4  }
0xc5: {  	[tilespmem:$0x1220] =	vst v0  }
0xc6: {  	v0 =	vld.idx.msk [tilespmem:v35+s7+$0x0], $0xffff;
	_ =	sdelay $0x3  }
0xc7: {  	v36 =	vld [tilespmem:$0x240]  }
0xc8: {  	[tilespmem:$0xE30] =	vst v0  }
0xc9: {  	v0 =	vld.idx.msk [tilespmem:v35+s28+$0x0], $0xffff;
	_ =	sdelay $0x4  }
0xca: {  	[tilespmem:$0x1230] =	vst v0  }
0xcb: {  	v0 =	vld.idx.msk [tilespmem:v36+s7+$0x0], $0xffff;
	_ =	sdelay $0x3  }
0xcc: {  	v37 =	vld [tilespmem:$0x250]  }
0xcd: {  	[tilespmem:$0xE40] =	vst v0  }
0xce: {  	v0 =	vld.idx.msk [tilespmem:v36+s28+$0x0], $0xffff;
	_ =	sdelay $0x4  }
0xcf: {  	[tilespmem:$0x1240] =	vst v0  }
0xd0: {  	v0 =	vld.idx.msk [tilespmem:v37+s7+$0x0], $0xffff;
	_ =	sdelay $0x3  }
0xd1: {  	v38 =	vld [tilespmem:$0x260]  }
0xd2: {  	[tilespmem:$0xE50] =	vst v0  }
0xd3: {  	v0 =	vld.idx.msk [tilespmem:v37+s28+$0x0], $0xffff;
	_ =	sdelay $0x4  }
0xd4: {  	[tilespmem:$0x1250] =	vst v0  }
0xd5: {  	v0 =	vld.idx.msk [tilespmem:v38+s7+$0x0], $0xffff;
	_ =	sdelay $0x3  }
0xd6: {  	v39 =	vld [tilespmem:$0x270]  }
0xd7: {  	[tilespmem:$0xE60] =	vst v0  }
0xd8: {  	v0 =	vld.idx.msk [tilespmem:v38+s28+$0x0], $0xffff;
	_ =	sdelay $0x4  }
0xd9: {  	[tilespmem:$0x1260] =	vst v0  }
0xda: {  	v0 =	vld.idx.msk [tilespmem:v39+s7+$0x0], $0xffff;
	_ =	sdelay $0x3  }
0xdb: {  	v40 =	vld [tilespmem:$0x280]  }
0xdc: {  	[tilespmem:$0xE70] =	vst v0  }
0xdd: {  	v0 =	vld.idx.msk [tilespmem:v39+s28+$0x0], $0xffff;
	_ =	sdelay $0x4  }
0xde: {  	[tilespmem:$0x1270] =	vst v0  }
0xdf: {  	v0 =	vld.idx.msk [tilespmem:v40+s7+$0x0], $0xffff;
	_ =	sdelay $0x3  }
0xe0: {  	v41 =	vld [tilespmem:$0x290]  }
0xe1: {  	[tilespmem:$0xE80] =	vst v0  }
0xe2: {  	v0 =	vld.idx.msk [tilespmem:v40+s28+$0x0], $0xffff;
	_ =	sdelay $0x4  }
0xe3: {  	[tilespmem:$0x1280] =	vst v0  }
0xe4: {  	v0 =	vld.idx.msk [tilespmem:v41+s7+$0x0], $0xffff;
	_ =	sdelay $0x3  }
0xe5: {  	v42 =	vld [tilespmem:$0x2A0]  }
0xe6: {  	[tilespmem:$0xE90] =	vst v0  }
0xe7: {  	v0 =	vld.idx.msk [tilespmem:v41+s28+$0x0], $0xffff;
	_ =	sdelay $0x4  }
0xe8: {  	[tilespmem:$0x1290] =	vst v0  }
0xe9: {  	v0 =	vld.idx.msk [tilespmem:v42+s7+$0x0], $0xffff;
	_ =	sdelay $0x3  }
0xea: {  	v43 =	vld [tilespmem:$0x2B0]  }
0xeb: {  	[tilespmem:$0xEA0] =	vst v0  }
0xec: {  	v0 =	vld.idx.msk [tilespmem:v42+s28+$0x0], $0xffff;
	_ =	sdelay $0x4  }
0xed: {  	[tilespmem:$0x12A0] =	vst v0  }
0xee: {  	v0 =	vld.idx.msk [tilespmem:v43+s7+$0x0], $0xffff;
	_ =	sdelay $0x3  }
0xef: {  	v44 =	vld [tilespmem:$0x2C0]  }
0xf0: {  	[tilespmem:$0xEB0] =	vst v0  }
0xf1: {  	v0 =	vld.idx.msk [tilespmem:v43+s28+$0x0], $0xffff;
	_ =	sdelay $0x4  }
0xf2: {  	[tilespmem:$0x12B0] =	vst v0  }
0xf3: {  	v0 =	vld.idx.msk [tilespmem:v44+s7+$0x0], $0xffff;
	_ =	sdelay $0x3  }
0xf4: {  	v45 =	vld [tilespmem:$0x2D0]  }
0xf5: {  	[tilespmem:$0xEC0] =	vst v0  }
0xf6: {  	v0 =	vld.idx.msk [tilespmem:v44+s28+$0x0], $0xffff;
	_ =	sdelay $0x4  }
0xf7: {  	[tilespmem:$0x12C0] =	vst v0  }
0xf8: {  	v0 =	vld.idx.msk [tilespmem:v45+s7+$0x0], $0xffff;
	_ =	sdelay $0x3  }
0xf9: {  	v46 =	vld [tilespmem:$0x2E0]  }
0xfa: {  	[tilespmem:$0xED0] =	vst v0  }
0xfb: {  	v0 =	vld.idx.msk [tilespmem:v45+s28+$0x0], $0xffff;
	_ =	sdelay $0x4  }
0xfc: {  	[tilespmem:$0x12D0] =	vst v0  }
0xfd: {  	v0 =	vld.idx.msk [tilespmem:v46+s7+$0x0], $0xffff;
	_ =	sdelay $0x3  }
0xfe: {  	v47 =	vld [tilespmem:$0x2F0]  }
0xff: {  	[tilespmem:$0xEE0] =	vst v0  }
0x100: {  	v0 =	vld.idx.msk [tilespmem:v46+s28+$0x0], $0xffff;
	_ =	sdelay $0x4  }
0x101: {  	[tilespmem:$0x12E0] =	vst v0  }
0x102: {  	v0 =	vld.idx.msk [tilespmem:v47+s7+$0x0], $0xffff;
	_ =	sdelay $0x3  }
0x103: {  	v48 =	vld [tilespmem:$0x300]  }
0x104: {  	[tilespmem:$0xEF0] =	vst v0  }
0x105: {  	v0 =	vld.idx.msk [tilespmem:v47+s28+$0x0], $0xffff;
	_ =	sdelay $0x4  }
0x106: {  	[tilespmem:$0x12F0] =	vst v0  }
0x107: {  	v0 =	vld.idx.msk [tilespmem:v48+s7+$0x0], $0xffff;
	_ =	sdelay $0x3  }
0x108: {  	v49 =	vld [tilespmem:$0x310]  }
0x109: {  	[tilespmem:$0xF00] =	vst v0  }
0x10a: {  	v0 =	vld.idx.msk [tilespmem:v48+s28+$0x0], $0xffff;
	_ =	sdelay $0x4  }
0x10b: {  	[tilespmem:$0x1300] =	vst v0  }
0x10c: {  	v0 =	vld.idx.msk [tilespmem:v49+s7+$0x0], $0xffff;
	_ =	sdelay $0x3  }
0x10d: {  	v50 =	vld [tilespmem:$0x320]  }
0x10e: {  	[tilespmem:$0xF10] =	vst v0  }
0x10f: {  	v0 =	vld.idx.msk [tilespmem:v49+s28+$0x0], $0xffff;
	_ =	sdelay $0x4  }
0x110: {  	[tilespmem:$0x1310] =	vst v0  }
0x111: {  	v0 =	vld.idx.msk [tilespmem:v50+s7+$0x0], $0xffff;
	_ =	sdelay $0x3  }
0x112: {  	v51 =	vld [tilespmem:$0x330]  }
0x113: {  	[tilespmem:$0xF20] =	vst v0  }
0x114: {  	v0 =	vld.idx.msk [tilespmem:v50+s28+$0x0], $0xffff;
	_ =	sdelay $0x4  }
0x115: {  	[tilespmem:$0x1320] =	vst v0  }
0x116: {  	v0 =	vld.idx.msk [tilespmem:v51+s7+$0x0], $0xffff;
	_ =	sdelay $0x3  }
0x117: {  	v52 =	vld [tilespmem:$0x340]  }
0x118: {  	[tilespmem:$0xF30] =	vst v0  }
0x119: {  	v0 =	vld.idx.msk [tilespmem:v51+s28+$0x0], $0xffff;
	_ =	sdelay $0x4  }
0x11a: {  	[tilespmem:$0x1330] =	vst v0  }
0x11b: {  	v0 =	vld.idx.msk [tilespmem:v52+s7+$0x0], $0xffff;
	_ =	sdelay $0x3  }
0x11c: {  	v53 =	vld [tilespmem:$0x350]  }
0x11d: {  	[tilespmem:$0xF40] =	vst v0  }
0x11e: {  	v0 =	vld.idx.msk [tilespmem:v52+s28+$0x0], $0xffff;
	_ =	sdelay $0x4  }
0x11f: {  	[tilespmem:$0x1340] =	vst v0  }
0x120: {  	v0 =	vld.idx.msk [tilespmem:v53+s7+$0x0], $0xffff;
	_ =	sdelay $0x3  }
0x121: {  	v54 =	vld [tilespmem:$0x360]  }
0x122: {  	[tilespmem:$0xF50] =	vst v0  }
0x123: {  	v0 =	vld.idx.msk [tilespmem:v53+s28+$0x0], $0xffff;
	_ =	sdelay $0x4  }
0x124: {  	[tilespmem:$0x1350] =	vst v0  }
0x125: {  	v0 =	vld.idx.msk [tilespmem:v54+s7+$0x0], $0xffff;
	_ =	sdelay $0x3  }
0x126: {  	v55 =	vld [tilespmem:$0x370]  }
0x127: {  	[tilespmem:$0xF60] =	vst v0  }
0x128: {  	v0 =	vld.idx.msk [tilespmem:v54+s28+$0x0], $0xffff;
	_ =	sdelay $0x4  }
0x129: {  	[tilespmem:$0x1360] =	vst v0  }
0x12a: {  	v0 =	vld.idx.msk [tilespmem:v55+s7+$0x0], $0xffff;
	_ =	sdelay $0x3  }
0x12b: {  	v56 =	vld [tilespmem:$0x380]  }
0x12c: {  	[tilespmem:$0xF70] =	vst v0  }
0x12d: {  	v0 =	vld.idx.msk [tilespmem:v55+s28+$0x0], $0xffff;
	_ =	sdelay $0x4  }
0x12e: {  	[tilespmem:$0x1370] =	vst v0  }
0x12f: {  	v0 =	vld.idx.msk [tilespmem:v56+s7+$0x0], $0xffff;
	_ =	sdelay $0x3  }
0x130: {  	v57 =	vld [tilespmem:$0x390]  }
0x131: {  	[tilespmem:$0xF80] =	vst v0  }
0x132: {  	v0 =	vld.idx.msk [tilespmem:v56+s28+$0x0], $0xffff;
	_ =	sdelay $0x4  }
0x133: {  	[tilespmem:$0x1380] =	vst v0  }
0x134: {  	v0 =	vld.idx.msk [tilespmem:v57+s7+$0x0], $0xffff;
	_ =	sdelay $0x3  }
0x135: {  	v58 =	vld [tilespmem:$0x3A0]  }
0x136: {  	[tilespmem:$0xF90] =	vst v0  }
0x137: {  	v0 =	vld.idx.msk [tilespmem:v57+s28+$0x0], $0xffff;
	_ =	sdelay $0x4  }
0x138: {  	[tilespmem:$0x1390] =	vst v0  }
0x139: {  	v0 =	vld.idx.msk [tilespmem:v58+s7+$0x0], $0xffff;
	_ =	sdelay $0x3  }
0x13a: {  	v59 =	vld [tilespmem:$0x3B0]  }
0x13b: {  	[tilespmem:$0xFA0] =	vst v0  }
0x13c: {  	v0 =	vld.idx.msk [tilespmem:v58+s28+$0x0], $0xffff;
	_ =	sdelay $0x4  }
0x13d: {  	[tilespmem:$0x13A0] =	vst v0  }
0x13e: {  	v0 =	vld.idx.msk [tilespmem:v59+s7+$0x0], $0xffff;
	_ =	sdelay $0x3  }
0x13f: {  	v60 =	vld [tilespmem:$0x3C0]  }
0x140: {  	[tilespmem:$0xFB0] =	vst v0  }
0x141: {  	v0 =	vld.idx.msk [tilespmem:v59+s28+$0x0], $0xffff;
	_ =	sdelay $0x4  }
0x142: {  	[tilespmem:$0x13B0] =	vst v0  }
0x143: {  	v0 =	vld.idx.msk [tilespmem:v60+s7+$0x0], $0xffff;
	_ =	sdelay $0x3  }
0x144: {  	v61 =	vld [tilespmem:$0x3D0]  }
0x145: {  	[tilespmem:$0xFC0] =	vst v0  }
0x146: {  	v0 =	vld.idx.msk [tilespmem:v60+s28+$0x0], $0xffff;
	_ =	sdelay $0x4  }
0x147: {  	[tilespmem:$0x13C0] =	vst v0  }
0x148: {  	v0 =	vld.idx.msk [tilespmem:v61+s7+$0x0], $0xffff;
	_ =	sdelay $0x3  }
0x149: {  	v62 =	vld [tilespmem:$0x3E0]  }
0x14a: {  	[tilespmem:$0xFD0] =	vst v0  }
0x14b: {  	v0 =	vld.idx.msk [tilespmem:v61+s28+$0x0], $0xffff;
	_ =	sdelay $0x4  }
0x14c: {  	[tilespmem:$0x13D0] =	vst v0  }
0x14d: {  	v0 =	vld.idx.msk [tilespmem:v62+s7+$0x0], $0xffff;
	_ =	sdelay $0x3  }
0x14e: {  	v63 =	vld [tilespmem:$0x3F0]  }
0x14f: {  	[tilespmem:$0xFE0] =	vst v0  }
0x150: {  	v0 =	vld.idx.msk [tilespmem:v62+s28+$0x0], $0xffff;
	_ =	sdelay $0x4  }
0x151: {  	[tilespmem:$0x13E0] =	vst v0  }
0x152: {  	v0 =	vld.idx.msk [tilespmem:v63+s7+$0x0], $0xffff;
	_ =	sdelay $0x4  }
0x153: {  	[tilespmem:$0xFF0] =	vst v0  }
0x154: {  	v0 =	vld.idx.msk [tilespmem:v63+s28+$0x0], $0xffff;
	_ =	sdelay $0x4  }
0x155: {  	s30 =	simm.s32 $0xC00;
	s4 =	sadd.s32 s4, s5;
	[tilespmem:$0x13F0] =	vst v0  }
0x156: {  	[hbm4b:s4+s3] =	stream.linear.scatter [tilespmem:s30], [sflag:$0x1], $0x400, $0x38;
	[tilespmem:$0x1400] =	vst v63  }
0x157: {  	s31 =	simm.s32 $0x1000;
	s2 =	sadd.s32 s2, s5  }
0x158: {  	[hbm4b:s2+s3] =	stream.linear.scatter [tilespmem:s31], [sflag:$0x1], $0x400, $0x38;
	[tilespmem:$0x1400] =	vst v63  }
0x159: {  	_ =	swait.ge [sflag:s29], $0x400  }
0x15a: {  	[sflag:s29] =	ssyncset.done $0x0  }
0x15b: {  	[sflag:s29] =	ssyncadd.s32 $0xFFFFFC00  }
0x15c: {  	_ =	swait.ge [sflag:s29], $0x400  }
0x15d: {  	[sflag:s29] =	ssyncset.done $0x0  }
0x15e: {  	[sflag:s29] =	ssyncadd.s32 $0xFFFFFC00  }
0x15f: {  	_ =	sfence.sel $0x180000  }
0x160: {  	[bflag:$0x0] =	sbarrier.arrive $0xFFFF  }
0x161: {  	p0 =	sne.s32 s1, $0x0;
	_ =	strace $0x90000047  }
0x162: {  	s0 =	sadd.s32 @!p0 $0x100000, s0;
	[bflag:$0x2] =	sbarrier.arrive $0xFFFF  }
0x163: {  	[sflag:s0] =	ssyncadd.tile.s32 @!p0 $0x1;
	_ =	shalt  }
.Lfunc_end2:
_tile_overlayer_lowered:
.L_overlay_start_2:
0x164: {  	(tag) =	ssettag $0x2  }
0x165: {  	s0 =	rddreg [dreg:$0x0];
	s2 =	stileid.u32  }
0x166: {  	s1 =	rddreg [dreg:$0x1];
	p0 =	sne.s32 s2, $0x0  }
0x167: {  	s3 =	rddreg [dreg:$0x2];
	[bflag:$0x3] =	sbarrier.arrive $0xFFFF;
	s2 =	simm.s32 @!p0 $0x1C02  }
0x168: {  	[timem:s3], [sflag:s2] =	dma.local @!p0 [hbm:s0], s1  }
0x169: {  	s0 =	simm.s32 @!p0 $0x2  }
0x16a: {  	_ =	swait.ge @!p0 [sflag:s0], s1  }
0x16b: {  	s1 =	ssub.s32 @!p0 $0x0, s1;
	[sflag:s0] =	ssyncset.done @!p0 $0x0  }
0x16c: {  	[sflag:s0] =	ssyncadd.s32 @!p0 s1  }
0x16d: {  	[bflag:$0x3] =	sbarrier.arrive $0xFFFF  }
0x16e: {  	_ =	shalt  }

</sc_bundles>
